<compile_context>
chip_gen: v7x
topology: tpu7x:2x2x1
jax: 0.10.2.dev20260603
libtpu: 0.0.44.dev20260713+nightly
codegen_flags: <defaults>
</compile_context>

<pallas_src>
import functools

import jax
import jax.numpy as jnp
from jax import lax
from jax.experimental import pallas as pl
from jax.experimental.pallas import tpu as pltpu
from jax.experimental.pallas import tpu_sc as plsc

N = 10000
E = 320000
IN_CH = 128
CH2 = 32
R = 10240
NW = 32
CHUNK = 128
KCH = 80
ROWS_PER_TILE = R // 16

_SC_PARAMS = pltpu.CompilerParams(
    use_tc_tiling_on_sc=False, needs_layout_passes=False)


@functools.cache
def _sc_deg():
    mesh = plsc.VectorSubcoreMesh(core_axis_name="c", subcore_axis_name="s")

    @functools.partial(
        pl.kernel,
        mesh=mesh,
        compiler_params=_SC_PARAMS,
        out_type=jax.ShapeDtypeStruct((NW, R), jnp.float32),
        scratch_types=[
            pltpu.VMEM((KCH, CHUNK), jnp.int32),
            pltpu.VMEM((R,), jnp.float32),
        ],
    )
    def k(edges, zer, out, dstv, acc):
        c = lax.axis_index("c")
        s = lax.axis_index("s")
        wid = s * 2 + c
        pltpu.sync_copy(zer, acc)
        pltpu.sync_copy(edges.at[1, wid], dstv)
        ones16 = jnp.ones((16,), jnp.float32)

        def body(j, carry):
            for i in range(CHUNK // 16):
                idx16 = dstv[j, pl.ds(i * 16, 16)]
                plsc.addupdate_scatter(acc, [idx16], ones16)
            return carry

        lax.fori_loop(0, KCH, body, 0)
        pltpu.sync_copy(acc, out.at[wid])

    return k


@functools.cache
def _sc_edge_agg():
    mesh = plsc.VectorSubcoreMesh(core_axis_name="c", subcore_axis_name="s")

    @functools.partial(
        pl.kernel,
        mesh=mesh,
        compiler_params=_SC_PARAMS,
        out_type=jax.ShapeDtypeStruct((2, R, CH2), jnp.float32),
        scratch_types=[
            pltpu.VMEM((KCH, CHUNK), jnp.int32),
            pltpu.VMEM((KCH, CHUNK), jnp.int32),
            [pltpu.VMEM((CHUNK, CH2), jnp.float32)] * 4,
            pltpu.VMEM_SHARED((R, CH2), jnp.float32),
            [pltpu.SemaphoreType.DMA] * 4,
            [pltpu.SemaphoreType.DMA] * 4,
        ],
    )
    def k(table, edges, zer, out, srcv, dstv, rows, acc, gsem, ssem):
        c = lax.axis_index("c")
        s = lax.axis_index("s")
        wid = s * 2 + c
        sl = pl.ds(s * ROWS_PER_TILE, ROWS_PER_TILE)
        pltpu.sync_copy(zer.at[sl], acc.at[sl])
        pltpu.sync_copy(edges.at[0, wid], srcv)
        pltpu.sync_copy(edges.at[1, wid], dstv)
        plsc.subcore_barrier()

        def gstart(j, b):
            pltpu.async_copy(table.at[srcv.at[j]], rows[b], gsem[b])

        def gwait(j, b):
            pltpu.make_async_copy(table.at[srcv.at[j]], rows[b], gsem[b]).wait()

        def sstart(j, b):
            pltpu.async_copy(rows[b], acc.at[dstv.at[j]], ssem[b], add=True)

        def swait(j, b):
            pltpu.make_async_copy(rows[b], acc.at[dstv.at[j]], ssem[b]).wait()

        def slot(j, b):
            swait(j - 2, (b + 2) % 4)
            gstart(j + 2, (b + 2) % 4)
            gwait(j, b)
            sstart(j, b)

        gstart(0, 0)
        gstart(1, 1)
        gstart(2, 2)
        gwait(0, 0)
        sstart(0, 0)
        gstart(3, 3)
        gwait(1, 1)
        sstart(1, 1)

        def body(jj, carry):
            j = 4 * jj + 2
            slot(j, 2)
            slot(j + 1, 3)
            slot(j + 2, 0)
            slot(j + 3, 1)
            return carry

        lax.fori_loop(0, (KCH - 4) // 4, body, 0)
        swait(KCH - 4, 0)
        gwait(KCH - 2, 2)
        sstart(KCH - 2, 2)
        swait(KCH - 3, 1)
        gwait(KCH - 1, 3)
        sstart(KCH - 1, 3)
        swait(KCH - 2, 2)
        swait(KCH - 1, 3)
        plsc.subcore_barrier()
        pltpu.sync_copy(acc.at[sl], out.at[c, sl])

    return k


def _tc_matmul_hs(x, w_all, degp):

    def body(x_ref, w_ref, d_ref, hs_ref, dis_ref):
        deg = jnp.sum(d_ref[...], axis=0)[:N, None] + 1.0
        dis = lax.rsqrt(deg)
        h = jnp.dot(x_ref[...], w_ref[...], preferred_element_type=jnp.float32)
        hs_ref[...] = h * dis
        dis_ref[...] = dis

    return pl.pallas_call(
        body,
        out_shape=[
            jax.ShapeDtypeStruct((N, CH2), jnp.float32),
            jax.ShapeDtypeStruct((N, 1), jnp.float32),
        ],
    )(x, w_all, degp)


def _tc_finalize(agg, hs, dis, b_all):

    def body(a_ref, hs_ref, dis_ref, b_ref, mu_ref, ls_ref):
        s = a_ref[0, :N, :] + a_ref[1, :N, :] + hs_ref[...]
        o = dis_ref[...] * s + b_ref[...]
        mu_ref[...] = o[:, :16]
        ls_ref[...] = o[:, 16:]

    return pl.pallas_call(
        body,
        out_shape=[
            jax.ShapeDtypeStruct((N, 16), jnp.float32),
            jax.ShapeDtypeStruct((N, 16), jnp.float32),
        ],
    )(agg, hs, dis, b_all)


def kernel(x, edge_index, W_mu, b_mu, W_logstd, b_logstd):
    npad = NW * KCH * CHUNK - E
    pad_src = jnp.arange(npad, dtype=jnp.int32) % N
    pad_dst = N + jnp.arange(npad, dtype=jnp.int32) % (R - N)
    pad2 = jnp.stack([pad_src, pad_dst])
    edges = jnp.concatenate([edge_index, pad2], axis=1).reshape(
        2, NW, KCH, CHUNK)

    zer1 = jnp.zeros((R,), jnp.float32)
    degp = _sc_deg()(edges, zer1)

    w_all = jnp.concatenate([W_mu, W_logstd], axis=0).T
    hs, dis = _tc_matmul_hs(x, w_all, degp)

    zer32 = jnp.zeros((R, CH2), jnp.float32)
    agg = _sc_edge_agg()(hs, edges, zer32)

    b_all = jnp.concatenate([b_mu, b_logstd]).reshape(1, CH2)
    return tuple(_tc_finalize(agg, hs, dis, b_all))

# --- scband reference (transcript-rebuilt; emitter-appended) ---
"""Pipeline reference for scband-variational-linear-encoder-61718680044350 (READ-ONLY COPY).

The authoritative reference and input builder live on the scoring server;
editing this copy changes nothing except your own understanding.
"""

import jax, jax.numpy as jnp
import numpy as np

N = 10000
E = 320000
IN_CH = 128
OUT_CH = 16


def _gcn_conv(x, edge_index, W, b):
    # GCNConv: h = x @ W.T ; symmetric-normalized aggregation with self-loops ; + bias
    n = x.shape[0]
    src = edge_index[0]
    dst = edge_index[1]
    loop = jnp.arange(n, dtype=src.dtype)
    src_sl = jnp.concatenate([src, loop])
    dst_sl = jnp.concatenate([dst, loop])
    deg = jnp.zeros((n,), dtype=x.dtype).at[dst_sl].add(1.0)
    deg_inv_sqrt = jnp.where(deg > 0, deg ** -0.5, 0.0)
    norm = deg_inv_sqrt[src_sl] * deg_inv_sqrt[dst_sl]
    h = x @ W.T
    msg = h[src_sl] * norm[:, None]
    out = jnp.zeros((n, W.shape[0]), dtype=x.dtype).at[dst_sl].add(msg)
    return out + b


def setup_inputs(seed: int = 0) -> dict:
    key = jax.random.key(seed)
    k1, k2, k3, k4 = jax.random.split(key, 4)
    x = jax.random.normal(k1, (N, IN_CH), dtype=jnp.float32)
    edge_index = jax.random.randint(k2, (2, E), 0, N, dtype=jnp.int32)
    glorot = float(np.sqrt(6.0 / (IN_CH + OUT_CH)))
    W_mu = jax.random.uniform(k3, (OUT_CH, IN_CH), dtype=jnp.float32, minval=-glorot, maxval=glorot)
    W_logstd = jax.random.uniform(k4, (OUT_CH, IN_CH), dtype=jnp.float32, minval=-glorot, maxval=glorot)
    b_mu = jnp.zeros((OUT_CH,), dtype=jnp.float32)
    b_logstd = jnp.zeros((OUT_CH,), dtype=jnp.float32)
    return {"x": x, "edge_index": edge_index, "W_mu": W_mu, "b_mu": b_mu, "W_logstd": W_logstd, "b_logstd": b_logstd}


def reference(x, edge_index, W_mu, b_mu, W_logstd, b_logstd):
    mu = _gcn_conv(x, edge_index, W_mu, b_mu)
    logstd = _gcn_conv(x, edge_index, W_logstd, b_logstd)
    return (mu, logstd)

if __name__ == "__main__":
    import jax
    _d = setup_inputs()
    print(jax.jit(kernel)(*tuple(_d.values())))

</pallas_src>

<mosaic_0001>
#map = affine_map<(d0, d1) -> (0, 0, 0, 0)>
#map1 = affine_map<(d0, d1) -> (0)>
#map2 = affine_map<(d0, d1) -> (0, 0)>
module attributes {stable_mosaic.version = 14 : i64} {
  func.func @k(%arg0: i32, %arg1: i32, %arg2: memref<2x32x80x128xi32, #tpu.memory_space<hbm>>, %arg3: memref<10240xf32, #tpu.memory_space<hbm>>, %arg4: memref<32x10240xf32, #tpu.memory_space<hbm>>, %arg5: memref<80x128xi32, #tpu.memory_space<vmem>>, %arg6: memref<10240xf32, #tpu.memory_space<vmem>>) attributes {dimension_semantics = [#tpu.dimension_semantics<core_parallel>, #tpu.dimension_semantics<subcore_parallel>], iteration_bounds = array<i64: 2, 16>, scalar_prefetch = 0 : i64, scratch_operands = 2 : i64, tpu.core_type = #tpu.core_type<sc_vector_subcore>, window_params = [{transform_indices = #map}, {transform_indices = #map1}, {transform_indices = #map2}]} {
    %mul3A = arith.constant 2 : i32
    %mul3A_0 = arith.muli %arg1, %mul3A : i32
    %add3A = arith.addi %mul3A_0, %arg0 : i32
    "tpu.region"() ({
      %run_scoped3A_7 = tpu.sem_alloc : memref<!tpu.dma_semaphore, #tpu.memory_space<semaphore_mem>>
      tpu.enqueue_dma source(%arg3 : memref<10240xf32, #tpu.memory_space<hbm>>) target(%arg6 : memref<10240xf32, #tpu.memory_space<vmem>>) target_semaphore(%run_scoped3A_7 : memref<!tpu.dma_semaphore, #tpu.memory_space<semaphore_mem>>)
      tpu.wait_dma2 semaphore(%run_scoped3A_7 : memref<!tpu.dma_semaphore, #tpu.memory_space<semaphore_mem>>) src(%arg3 : memref<10240xf32, #tpu.memory_space<hbm>>) dst(%arg6 : memref<10240xf32, #tpu.memory_space<vmem>>)
      tpu.yield
    }) : () -> ()
    %run_scoped3A = arith.constant 1 : i32
    "tpu.region"() ({
      %run_scoped3A_7 = tpu.sem_alloc : memref<!tpu.dma_semaphore, #tpu.memory_space<semaphore_mem>>
      %dma_start3A = arith.constant 0 : i32
      %dma_start3A_8 = arith.constant 0 : i32
      %dma_start3A_9 = tpu.memref_slice %arg2[%run_scoped3A, %add3A, %dma_start3A, %dma_start3A_8] : memref<2x32x80x128xi32, #tpu.memory_space<hbm>> -> memref<1x1x80x128xi32, #tpu.memory_space<hbm>>
      %dma_start3A_10 = tpu.memref_squeeze %dma_start3A_9 : memref<1x1x80x128xi32, #tpu.memory_space<hbm>> -> memref<80x128xi32, #tpu.memory_space<hbm>>
      %dma_start3A_11 = arith.constant 0 : i32
      %dma_start3A_12 = arith.constant 0 : i32
      %dma_start3A_13 = tpu.memref_slice %arg2[%run_scoped3A, %add3A, %dma_start3A_11, %dma_start3A_12] : memref<2x32x80x128xi32, #tpu.memory_space<hbm>> -> memref<1x1x80x128xi32, #tpu.memory_space<hbm>>
      %dma_start3A_14 = tpu.memref_squeeze %dma_start3A_13 : memref<1x1x80x128xi32, #tpu.memory_space<hbm>> -> memref<80x128xi32, #tpu.memory_space<hbm>>
      tpu.enqueue_dma source(%dma_start3A_14 : memref<80x128xi32, #tpu.memory_space<hbm>>) target(%arg5 : memref<80x128xi32, #tpu.memory_space<vmem>>) target_semaphore(%run_scoped3A_7 : memref<!tpu.dma_semaphore, #tpu.memory_space<semaphore_mem>>)
      %dma_wait3A = arith.constant 0 : i32
      %dma_wait3A_15 = arith.constant 0 : i32
      %dma_wait3A_16 = tpu.memref_slice %arg2[%run_scoped3A, %add3A, %dma_wait3A, %dma_wait3A_15] : memref<2x32x80x128xi32, #tpu.memory_space<hbm>> -> memref<1x1x80x128xi32, #tpu.memory_space<hbm>>
      %dma_wait3A_17 = tpu.memref_squeeze %dma_wait3A_16 : memref<1x1x80x128xi32, #tpu.memory_space<hbm>> -> memref<80x128xi32, #tpu.memory_space<hbm>>
      %dma_wait3A_18 = arith.constant 0 : i32
      %dma_wait3A_19 = arith.constant 0 : i32
      %dma_wait3A_20 = tpu.memref_slice %arg2[%run_scoped3A, %add3A, %dma_wait3A_18, %dma_wait3A_19] : memref<2x32x80x128xi32, #tpu.memory_space<hbm>> -> memref<1x1x80x128xi32, #tpu.memory_space<hbm>>
      %dma_wait3A_21 = tpu.memref_squeeze %dma_wait3A_20 : memref<1x1x80x128xi32, #tpu.memory_space<hbm>> -> memref<80x128xi32, #tpu.memory_space<hbm>>
      tpu.wait_dma2 semaphore(%run_scoped3A_7 : memref<!tpu.dma_semaphore, #tpu.memory_space<semaphore_mem>>) src(%dma_wait3A_21 : memref<80x128xi32, #tpu.memory_space<hbm>>) dst(%arg5 : memref<80x128xi32, #tpu.memory_space<vmem>>)
      tpu.yield
    }) : () -> ()
    %broadcast_in_dim3A = arith.constant 1.000000e+00 : f32
    %broadcast_in_dim3A_1 = vector.broadcast %broadcast_in_dim3A : f32 to vector<16xf32>
    %scan3A = arith.constant 0 : i32
    %scan3A_2 = arith.constant 0 : i32
    %scan3A_3 = arith.constant 80 : i32
    %scan3A_4 = arith.addi %scan3A_2, %scan3A_3 : i32
    %scan3A_5 = arith.constant 1 : i32
    scf.for %scan3A_7 = %scan3A_2 to %scan3A_4 step %scan3A_5  : i32 {
      %get3A = arith.index_cast %scan3A_7 : i32 to index
      %get3A_8 = arith.constant 0 : index
      %get3A_9 = tpu.vector_load %arg5[%get3A, %get3A_8] {strides = array<i32>} : memref<80x128xi32, #tpu.memory_space<vmem>>, vector<16xi32>,
      tpu.vector_store_idx %arg6[%get3A_9], %broadcast_in_dim3A_1 {add = true} : memref<10240xf32, #tpu.memory_space<vmem>>[vector<16xi32>], vector<16xf32>,
      %get3A_10 = arith.index_cast %scan3A_7 : i32 to index
      %get3A_11 = arith.constant 16 : index
      %get3A_12 = tpu.vector_load %arg5[%get3A_10, %get3A_11] {strides = array<i32>} : memref<80x128xi32, #tpu.memory_space<vmem>>, vector<16xi32>,
      tpu.vector_store_idx %arg6[%get3A_12], %broadcast_in_dim3A_1 {add = true} : memref<10240xf32, #tpu.memory_space<vmem>>[vector<16xi32>], vector<16xf32>,
      %get3A_13 = arith.index_cast %scan3A_7 : i32 to index
      %get3A_14 = arith.constant 32 : index
      %get3A_15 = tpu.vector_load %arg5[%get3A_13, %get3A_14] {strides = array<i32>} : memref<80x128xi32, #tpu.memory_space<vmem>>, vector<16xi32>,
      tpu.vector_store_idx %arg6[%get3A_15], %broadcast_in_dim3A_1 {add = true} : memref<10240xf32, #tpu.memory_space<vmem>>[vector<16xi32>], vector<16xf32>,
      %get3A_16 = arith.index_cast %scan3A_7 : i32 to index
      %get3A_17 = arith.constant 48 : index
      %get3A_18 = tpu.vector_load %arg5[%get3A_16, %get3A_17] {strides = array<i32>} : memref<80x128xi32, #tpu.memory_space<vmem>>, vector<16xi32>,
      tpu.vector_store_idx %arg6[%get3A_18], %broadcast_in_dim3A_1 {add = true} : memref<10240xf32, #tpu.memory_space<vmem>>[vector<16xi32>], vector<16xf32>,
      %get3A_19 = arith.index_cast %scan3A_7 : i32 to index
      %get3A_20 = arith.constant 64 : index
      %get3A_21 = tpu.vector_load %arg5[%get3A_19, %get3A_20] {strides = array<i32>} : memref<80x128xi32, #tpu.memory_space<vmem>>, vector<16xi32>,
      tpu.vector_store_idx %arg6[%get3A_21], %broadcast_in_dim3A_1 {add = true} : memref<10240xf32, #tpu.memory_space<vmem>>[vector<16xi32>], vector<16xf32>,
      %get3A_22 = arith.index_cast %scan3A_7 : i32 to index
      %get3A_23 = arith.constant 80 : index
      %get3A_24 = tpu.vector_load %arg5[%get3A_22, %get3A_23] {strides = array<i32>} : memref<80x128xi32, #tpu.memory_space<vmem>>, vector<16xi32>,
      tpu.vector_store_idx %arg6[%get3A_24], %broadcast_in_dim3A_1 {add = true} : memref<10240xf32, #tpu.memory_space<vmem>>[vector<16xi32>], vector<16xf32>,
      %get3A_25 = arith.index_cast %scan3A_7 : i32 to index
      %get3A_26 = arith.constant 96 : index
      %get3A_27 = tpu.vector_load %arg5[%get3A_25, %get3A_26] {strides = array<i32>} : memref<80x128xi32, #tpu.memory_space<vmem>>, vector<16xi32>,
      tpu.vector_store_idx %arg6[%get3A_27], %broadcast_in_dim3A_1 {add = true} : memref<10240xf32, #tpu.memory_space<vmem>>[vector<16xi32>], vector<16xf32>,
      %get3A_28 = arith.index_cast %scan3A_7 : i32 to index
      %get3A_29 = arith.constant 112 : index
      %get3A_30 = tpu.vector_load %arg5[%get3A_28, %get3A_29] {strides = array<i32>} : memref<80x128xi32, #tpu.memory_space<vmem>>, vector<16xi32>,
      tpu.vector_store_idx %arg6[%get3A_30], %broadcast_in_dim3A_1 {add = true} : memref<10240xf32, #tpu.memory_space<vmem>>[vector<16xi32>], vector<16xf32>,
    }
    %scan3A_6 = arith.constant 80 : i32
    "tpu.region"() ({
      %run_scoped3A_7 = tpu.sem_alloc : memref<!tpu.dma_semaphore, #tpu.memory_space<semaphore_mem>>
      %dma_start3A = arith.constant 0 : i32
      %dma_start3A_8 = tpu.memref_slice %arg4[%add3A, %dma_start3A] : memref<32x10240xf32, #tpu.memory_space<hbm>> -> memref<1x10240xf32, #tpu.memory_space<hbm>>
      %dma_start3A_9 = tpu.memref_squeeze %dma_start3A_8 : memref<1x10240xf32, #tpu.memory_space<hbm>> -> memref<10240xf32, #tpu.memory_space<hbm>>
      %dma_start3A_10 = arith.constant 0 : i32
      %dma_start3A_11 = tpu.memref_slice %arg4[%add3A, %dma_start3A_10] : memref<32x10240xf32, #tpu.memory_space<hbm>> -> memref<1x10240xf32, #tpu.memory_space<hbm>>
      %dma_start3A_12 = tpu.memref_squeeze %dma_start3A_11 : memref<1x10240xf32, #tpu.memory_space<hbm>> -> memref<10240xf32, #tpu.memory_space<hbm>>
      tpu.enqueue_dma source(%arg6 : memref<10240xf32, #tpu.memory_space<vmem>>) target(%dma_start3A_12 : memref<10240xf32, #tpu.memory_space<hbm>>) target_semaphore(%run_scoped3A_7 : memref<!tpu.dma_semaphore, #tpu.memory_space<semaphore_mem>>)
      %dma_wait3A = arith.constant 0 : i32
      %dma_wait3A_13 = tpu.memref_slice %arg4[%add3A, %dma_wait3A] : memref<32x10240xf32, #tpu.memory_space<hbm>> -> memref<1x10240xf32, #tpu.memory_space<hbm>>
      %dma_wait3A_14 = tpu.memref_squeeze %dma_wait3A_13 : memref<1x10240xf32, #tpu.memory_space<hbm>> -> memref<10240xf32, #tpu.memory_space<hbm>>
      %dma_wait3A_15 = arith.constant 0 : i32
      %dma_wait3A_16 = tpu.memref_slice %arg4[%add3A, %dma_wait3A_15] : memref<32x10240xf32, #tpu.memory_space<hbm>> -> memref<1x10240xf32, #tpu.memory_space<hbm>>
      %dma_wait3A_17 = tpu.memref_squeeze %dma_wait3A_16 : memref<1x10240xf32, #tpu.memory_space<hbm>> -> memref<10240xf32, #tpu.memory_space<hbm>>
      tpu.wait_dma2 semaphore(%run_scoped3A_7 : memref<!tpu.dma_semaphore, #tpu.memory_space<semaphore_mem>>) src(%arg6 : memref<10240xf32, #tpu.memory_space<vmem>>) dst(%dma_wait3A_17 : memref<10240xf32, #tpu.memory_space<hbm>>)
      tpu.yield
    }) : () -> ()
    return
  }
}

#map = affine_map<(d0, d1) -> (0, 0)>
#map1 = affine_map<(d0, d1) -> (0, 0, 0, 0)>
#map2 = affine_map<(d0, d1) -> (0, 0, 0)>
module attributes {stable_mosaic.version = 14 : i64} {
  func.func @k(%arg0: i32, %arg1: i32, %arg2: memref<10000x32xf32, #tpu.memory_space<hbm>>, %arg3: memref<2x32x80x128xi32, #tpu.memory_space<hbm>>, %arg4: memref<10240x32xf32, #tpu.memory_space<hbm>>, %arg5: memref<2x10240x32xf32, #tpu.memory_space<hbm>>, %arg6: memref<80x128xi32, #tpu.memory_space<vmem>>, %arg7: memref<80x128xi32, #tpu.memory_space<vmem>>, %arg8: memref<128x32xf32, #tpu.memory_space<vmem>>, %arg9: memref<128x32xf32, #tpu.memory_space<vmem>>, %arg10: memref<128x32xf32, #tpu.memory_space<vmem>>, %arg11: memref<128x32xf32, #tpu.memory_space<vmem>>, %arg12: memref<10240x32xf32, #tpu.memory_space<vmem_shared>>, %arg13: memref<!tpu.dma_semaphore, #tpu.memory_space<semaphore_mem>>, %arg14: memref<!tpu.dma_semaphore, #tpu.memory_space<semaphore_mem>>, %arg15: memref<!tpu.dma_semaphore, #tpu.memory_space<semaphore_mem>>, %arg16: memref<!tpu.dma_semaphore, #tpu.memory_space<semaphore_mem>>, %arg17: memref<!tpu.dma_semaphore, #tpu.memory_space<semaphore_mem>>, %arg18: memref<!tpu.dma_semaphore, #tpu.memory_space<semaphore_mem>>, %arg19: memref<!tpu.dma_semaphore, #tpu.memory_space<semaphore_mem>>, %arg20: memref<!tpu.dma_semaphore, #tpu.memory_space<semaphore_mem>>) attributes {dimension_semantics = [#tpu.dimension_semantics<core_parallel>, #tpu.dimension_semantics<subcore_parallel>], iteration_bounds = array<i64: 2, 16>, scalar_prefetch = 0 : i64, scratch_operands = 15 : i64, tpu.core_type = #tpu.core_type<sc_vector_subcore>, window_params = [{transform_indices = #map}, {transform_indices = #map1}, {transform_indices = #map}, {transform_indices = #map2}]} {
    %mul3A = arith.constant 2 : i32
    %mul3A_0 = arith.muli %arg1, %mul3A : i32
    %add3A = arith.addi %mul3A_0, %arg0 : i32
    %mul3A_1 = arith.constant 640 : i32
    %mul3A_2 = arith.muli %arg1, %mul3A_1 : i32
    "tpu.region"() ({
      %run_scoped3A_120 = tpu.sem_alloc : memref<!tpu.dma_semaphore, #tpu.memory_space<semaphore_mem>>
      %dma_start3A_121 = arith.constant 0 : i32
      %dma_start3A_122 = tpu.memref_slice %arg12[%mul3A_2, %dma_start3A_121] : memref<10240x32xf32, #tpu.memory_space<vmem_shared>> -> memref<640x32xf32, #tpu.memory_space<vmem_shared>>
      %dma_start3A_123 = arith.constant 0 : i32
      %dma_start3A_124 = tpu.memref_slice %arg4[%mul3A_2, %dma_start3A_123] : memref<10240x32xf32, #tpu.memory_space<hbm>> -> memref<640x32xf32, #tpu.memory_space<hbm>>
      tpu.enqueue_dma source(%dma_start3A_124 : memref<640x32xf32, #tpu.memory_space<hbm>>) target(%dma_start3A_122 : memref<640x32xf32, #tpu.memory_space<vmem_shared>>) target_semaphore(%run_scoped3A_120 : memref<!tpu.dma_semaphore, #tpu.memory_space<semaphore_mem>>)
      %dma_wait3A_125 = arith.constant 0 : i32
      %dma_wait3A_126 = tpu.memref_slice %arg12[%mul3A_2, %dma_wait3A_125] : memref<10240x32xf32, #tpu.memory_space<vmem_shared>> -> memref<640x32xf32, #tpu.memory_space<vmem_shared>>
      %dma_wait3A_127 = arith.constant 0 : i32
      %dma_wait3A_128 = tpu.memref_slice %arg4[%mul3A_2, %dma_wait3A_127] : memref<10240x32xf32, #tpu.memory_space<hbm>> -> memref<640x32xf32, #tpu.memory_space<hbm>>
      tpu.wait_dma2 semaphore(%run_scoped3A_120 : memref<!tpu.dma_semaphore, #tpu.memory_space<semaphore_mem>>) src(%dma_wait3A_128 : memref<640x32xf32, #tpu.memory_space<hbm>>) dst(%dma_wait3A_126 : memref<640x32xf32, #tpu.memory_space<vmem_shared>>)
      tpu.yield
    }) : () -> ()
    %run_scoped3A = arith.constant 0 : i32
    "tpu.region"() ({
      %run_scoped3A_120 = tpu.sem_alloc : memref<!tpu.dma_semaphore, #tpu.memory_space<semaphore_mem>>
      %dma_start3A_121 = arith.constant 0 : i32
      %dma_start3A_122 = arith.constant 0 : i32
      %dma_start3A_123 = tpu.memref_slice %arg3[%run_scoped3A, %add3A, %dma_start3A_121, %dma_start3A_122] : memref<2x32x80x128xi32, #tpu.memory_space<hbm>> -> memref<1x1x80x128xi32, #tpu.memory_space<hbm>>
      %dma_start3A_124 = tpu.memref_squeeze %dma_start3A_123 : memref<1x1x80x128xi32, #tpu.memory_space<hbm>> -> memref<80x128xi32, #tpu.memory_space<hbm>>
      %dma_start3A_125 = arith.constant 0 : i32
      %dma_start3A_126 = arith.constant 0 : i32
      %dma_start3A_127 = tpu.memref_slice %arg3[%run_scoped3A, %add3A, %dma_start3A_125, %dma_start3A_126] : memref<2x32x80x128xi32, #tpu.memory_space<hbm>> -> memref<1x1x80x128xi32, #tpu.memory_space<hbm>>
      %dma_start3A_128 = tpu.memref_squeeze %dma_start3A_127 : memref<1x1x80x128xi32, #tpu.memory_space<hbm>> -> memref<80x128xi32, #tpu.memory_space<hbm>>
      tpu.enqueue_dma source(%dma_start3A_128 : memref<80x128xi32, #tpu.memory_space<hbm>>) target(%arg6 : memref<80x128xi32, #tpu.memory_space<vmem>>) target_semaphore(%run_scoped3A_120 : memref<!tpu.dma_semaphore, #tpu.memory_space<semaphore_mem>>)
      %dma_wait3A_129 = arith.constant 0 : i32
      %dma_wait3A_130 = arith.constant 0 : i32
      %dma_wait3A_131 = tpu.memref_slice %arg3[%run_scoped3A, %add3A, %dma_wait3A_129, %dma_wait3A_130] : memref<2x32x80x128xi32, #tpu.memory_space<hbm>> -> memref<1x1x80x128xi32, #tpu.memory_space<hbm>>
      %dma_wait3A_132 = tpu.memref_squeeze %dma_wait3A_131 : memref<1x1x80x128xi32, #tpu.memory_space<hbm>> -> memref<80x128xi32, #tpu.memory_space<hbm>>
      %dma_wait3A_133 = arith.constant 0 : i32
      %dma_wait3A_134 = arith.constant 0 : i32
      %dma_wait3A_135 = tpu.memref_slice %arg3[%run_scoped3A, %add3A, %dma_wait3A_133, %dma_wait3A_134] : memref<2x32x80x128xi32, #tpu.memory_space<hbm>> -> memref<1x1x80x128xi32, #tpu.memory_space<hbm>>
      %dma_wait3A_136 = tpu.memref_squeeze %dma_wait3A_135 : memref<1x1x80x128xi32, #tpu.memory_space<hbm>> -> memref<80x128xi32, #tpu.memory_space<hbm>>
      tpu.wait_dma2 semaphore(%run_scoped3A_120 : memref<!tpu.dma_semaphore, #tpu.memory_space<semaphore_mem>>) src(%dma_wait3A_136 : memref<80x128xi32, #tpu.memory_space<hbm>>) dst(%arg6 : memref<80x128xi32, #tpu.memory_space<vmem>>)
      tpu.yield
    }) : () -> ()
    %run_scoped3A_3 = arith.constant 1 : i32
    "tpu.region"() ({
      %run_scoped3A_120 = tpu.sem_alloc : memref<!tpu.dma_semaphore, #tpu.memory_space<semaphore_mem>>
      %dma_start3A_121 = arith.constant 0 : i32
      %dma_start3A_122 = arith.constant 0 : i32
      %dma_start3A_123 = tpu.memref_slice %arg3[%run_scoped3A_3, %add3A, %dma_start3A_121, %dma_start3A_122] : memref<2x32x80x128xi32, #tpu.memory_space<hbm>> -> memref<1x1x80x128xi32, #tpu.memory_space<hbm>>
      %dma_start3A_124 = tpu.memref_squeeze %dma_start3A_123 : memref<1x1x80x128xi32, #tpu.memory_space<hbm>> -> memref<80x128xi32, #tpu.memory_space<hbm>>
      %dma_start3A_125 = arith.constant 0 : i32
      %dma_start3A_126 = arith.constant 0 : i32
      %dma_start3A_127 = tpu.memref_slice %arg3[%run_scoped3A_3, %add3A, %dma_start3A_125, %dma_start3A_126] : memref<2x32x80x128xi32, #tpu.memory_space<hbm>> -> memref<1x1x80x128xi32, #tpu.memory_space<hbm>>
      %dma_start3A_128 = tpu.memref_squeeze %dma_start3A_127 : memref<1x1x80x128xi32, #tpu.memory_space<hbm>> -> memref<80x128xi32, #tpu.memory_space<hbm>>
      tpu.enqueue_dma source(%dma_start3A_128 : memref<80x128xi32, #tpu.memory_space<hbm>>) target(%arg7 : memref<80x128xi32, #tpu.memory_space<vmem>>) target_semaphore(%run_scoped3A_120 : memref<!tpu.dma_semaphore, #tpu.memory_space<semaphore_mem>>)
      %dma_wait3A_129 = arith.constant 0 : i32
      %dma_wait3A_130 = arith.constant 0 : i32
      %dma_wait3A_131 = tpu.memref_slice %arg3[%run_scoped3A_3, %add3A, %dma_wait3A_129, %dma_wait3A_130] : memref<2x32x80x128xi32, #tpu.memory_space<hbm>> -> memref<1x1x80x128xi32, #tpu.memory_space<hbm>>
      %dma_wait3A_132 = tpu.memref_squeeze %dma_wait3A_131 : memref<1x1x80x128xi32, #tpu.memory_space<hbm>> -> memref<80x128xi32, #tpu.memory_space<hbm>>
      %dma_wait3A_133 = arith.constant 0 : i32
      %dma_wait3A_134 = arith.constant 0 : i32
      %dma_wait3A_135 = tpu.memref_slice %arg3[%run_scoped3A_3, %add3A, %dma_wait3A_133, %dma_wait3A_134] : memref<2x32x80x128xi32, #tpu.memory_space<hbm>> -> memref<1x1x80x128xi32, #tpu.memory_space<hbm>>
      %dma_wait3A_136 = tpu.memref_squeeze %dma_wait3A_135 : memref<1x1x80x128xi32, #tpu.memory_space<hbm>> -> memref<80x128xi32, #tpu.memory_space<hbm>>
      tpu.wait_dma2 semaphore(%run_scoped3A_120 : memref<!tpu.dma_semaphore, #tpu.memory_space<semaphore_mem>>) src(%dma_wait3A_136 : memref<80x128xi32, #tpu.memory_space<hbm>>) dst(%arg7 : memref<80x128xi32, #tpu.memory_space<vmem>>)
      tpu.yield
    }) : () -> ()
    %barrier3A = arith.constant 0 : index
    tpu.barrier barrier_id(%barrier3A)
    %dma_start3A = arith.constant 0 : i32
    %dma_start3A_4 = arith.constant 0 : i32
    %dma_start3A_5 = tpu.memref_slice %arg6[%dma_start3A, %dma_start3A_4] : memref<80x128xi32, #tpu.memory_space<vmem>> -> memref<1x128xi32, #tpu.memory_space<vmem>>
    %dma_start3A_6 = tpu.memref_squeeze %dma_start3A_5 : memref<1x128xi32, #tpu.memory_space<vmem>> -> memref<128xi32, #tpu.memory_space<vmem>>
    %dma_start3A_7 = arith.constant 0 : i32
    %dma_start3A_8 = arith.constant 0 : i32
    %dma_start3A_9 = tpu.memref_slice %arg2[%dma_start3A_7, %dma_start3A_8] : memref<10000x32xf32, #tpu.memory_space<hbm>> -> memref<10000x32xf32, #tpu.memory_space<hbm>>
    tpu.enqueue_indirect_dma source(%dma_start3A_9 : memref<10000x32xf32, #tpu.memory_space<hbm>>) target(%arg8 : memref<128x32xf32, #tpu.memory_space<vmem>>) offsets(%dma_start3A_6 : memref<128xi32, #tpu.memory_space<vmem>>) semaphore(%arg13 : memref<!tpu.dma_semaphore, #tpu.memory_space<semaphore_mem>>)
    %dma_start3A_10 = arith.constant 1 : i32
    %dma_start3A_11 = arith.constant 0 : i32
    %dma_start3A_12 = tpu.memref_slice %arg6[%dma_start3A_10, %dma_start3A_11] : memref<80x128xi32, #tpu.memory_space<vmem>> -> memref<1x128xi32, #tpu.memory_space<vmem>>
    %dma_start3A_13 = tpu.memref_squeeze %dma_start3A_12 : memref<1x128xi32, #tpu.memory_space<vmem>> -> memref<128xi32, #tpu.memory_space<vmem>>
    %dma_start3A_14 = arith.constant 0 : i32
    %dma_start3A_15 = arith.constant 0 : i32
    %dma_start3A_16 = tpu.memref_slice %arg2[%dma_start3A_14, %dma_start3A_15] : memref<10000x32xf32, #tpu.memory_space<hbm>> -> memref<10000x32xf32, #tpu.memory_space<hbm>>
    tpu.enqueue_indirect_dma source(%dma_start3A_16 : memref<10000x32xf32, #tpu.memory_space<hbm>>) target(%arg9 : memref<128x32xf32, #tpu.memory_space<vmem>>) offsets(%dma_start3A_13 : memref<128xi32, #tpu.memory_space<vmem>>) semaphore(%arg14 : memref<!tpu.dma_semaphore, #tpu.memory_space<semaphore_mem>>)
    %dma_start3A_17 = arith.constant 2 : i32
    %dma_start3A_18 = arith.constant 0 : i32
    %dma_start3A_19 = tpu.memref_slice %arg6[%dma_start3A_17, %dma_start3A_18] : memref<80x128xi32, #tpu.memory_space<vmem>> -> memref<1x128xi32, #tpu.memory_space<vmem>>
    %dma_start3A_20 = tpu.memref_squeeze %dma_start3A_19 : memref<1x128xi32, #tpu.memory_space<vmem>> -> memref<128xi32, #tpu.memory_space<vmem>>
    %dma_start3A_21 = arith.constant 0 : i32
    %dma_start3A_22 = arith.constant 0 : i32
    %dma_start3A_23 = tpu.memref_slice %arg2[%dma_start3A_21, %dma_start3A_22] : memref<10000x32xf32, #tpu.memory_space<hbm>> -> memref<10000x32xf32, #tpu.memory_space<hbm>>
    tpu.enqueue_indirect_dma source(%dma_start3A_23 : memref<10000x32xf32, #tpu.memory_space<hbm>>) target(%arg10 : memref<128x32xf32, #tpu.memory_space<vmem>>) offsets(%dma_start3A_20 : memref<128xi32, #tpu.memory_space<vmem>>) semaphore(%arg15 : memref<!tpu.dma_semaphore, #tpu.memory_space<semaphore_mem>>)
    %dma_wait3A = arith.constant 0 : i32
    %dma_wait3A_24 = arith.constant 0 : i32
    %dma_wait3A_25 = tpu.memref_slice %arg6[%dma_wait3A, %dma_wait3A_24] : memref<80x128xi32, #tpu.memory_space<vmem>> -> memref<1x128xi32, #tpu.memory_space<vmem>>
    %dma_wait3A_26 = tpu.memref_squeeze %dma_wait3A_25 : memref<1x128xi32, #tpu.memory_space<vmem>> -> memref<128xi32, #tpu.memory_space<vmem>>
    %dma_wait3A_27 = arith.constant 0 : i32
    %dma_wait3A_28 = arith.constant 0 : i32
    %dma_wait3A_29 = tpu.memref_slice %arg2[%dma_wait3A_27, %dma_wait3A_28] : memref<10000x32xf32, #tpu.memory_space<hbm>> -> memref<10000x32xf32, #tpu.memory_space<hbm>>
    tpu.wait_indirect_dma semaphore(%arg13 : memref<!tpu.dma_semaphore, #tpu.memory_space<semaphore_mem>>) src(%dma_wait3A_29 : memref<10000x32xf32, #tpu.memory_space<hbm>>) dst(%arg8 : memref<128x32xf32, #tpu.memory_space<vmem>>)
    %dma_start3A_30 = arith.constant 0 : i32
    %dma_start3A_31 = arith.constant 0 : i32
    %dma_start3A_32 = tpu.memref_slice %arg7[%dma_start3A_30, %dma_start3A_31] : memref<80x128xi32, #tpu.memory_space<vmem>> -> memref<1x128xi32, #tpu.memory_space<vmem>>
    %dma_start3A_33 = tpu.memref_squeeze %dma_start3A_32 : memref<1x128xi32, #tpu.memory_space<vmem>> -> memref<128xi32, #tpu.memory_space<vmem>>
    %dma_start3A_34 = arith.constant 0 : i32
    %dma_start3A_35 = arith.constant 0 : i32
    %dma_start3A_36 = tpu.memref_slice %arg12[%dma_start3A_34, %dma_start3A_35] : memref<10240x32xf32, #tpu.memory_space<vmem_shared>> -> memref<10240x32xf32, #tpu.memory_space<vmem_shared>>
    tpu.enqueue_indirect_dma source(%arg8 : memref<128x32xf32, #tpu.memory_space<vmem>>) target(%dma_start3A_36 : memref<10240x32xf32, #tpu.memory_space<vmem_shared>>) offsets(%dma_start3A_33 : memref<128xi32, #tpu.memory_space<vmem>>) semaphore(%arg17 : memref<!tpu.dma_semaphore, #tpu.memory_space<semaphore_mem>>) {add = true}
    %dma_start3A_37 = arith.constant 3 : i32
    %dma_start3A_38 = arith.constant 0 : i32
    %dma_start3A_39 = tpu.memref_slice %arg6[%dma_start3A_37, %dma_start3A_38] : memref<80x128xi32, #tpu.memory_space<vmem>> -> memref<1x128xi32, #tpu.memory_space<vmem>>
    %dma_start3A_40 = tpu.memref_squeeze %dma_start3A_39 : memref<1x128xi32, #tpu.memory_space<vmem>> -> memref<128xi32, #tpu.memory_space<vmem>>
    %dma_start3A_41 = arith.constant 0 : i32
    %dma_start3A_42 = arith.constant 0 : i32
    %dma_start3A_43 = tpu.memref_slice %arg2[%dma_start3A_41, %dma_start3A_42] : memref<10000x32xf32, #tpu.memory_space<hbm>> -> memref<10000x32xf32, #tpu.memory_space<hbm>>
    tpu.enqueue_indirect_dma source(%dma_start3A_43 : memref<10000x32xf32, #tpu.memory_space<hbm>>) target(%arg11 : memref<128x32xf32, #tpu.memory_space<vmem>>) offsets(%dma_start3A_40 : memref<128xi32, #tpu.memory_space<vmem>>) semaphore(%arg16 : memref<!tpu.dma_semaphore, #tpu.memory_space<semaphore_mem>>)
    %dma_wait3A_44 = arith.constant 1 : i32
    %dma_wait3A_45 = arith.constant 0 : i32
    %dma_wait3A_46 = tpu.memref_slice %arg6[%dma_wait3A_44, %dma_wait3A_45] : memref<80x128xi32, #tpu.memory_space<vmem>> -> memref<1x128xi32, #tpu.memory_space<vmem>>
    %dma_wait3A_47 = tpu.memref_squeeze %dma_wait3A_46 : memref<1x128xi32, #tpu.memory_space<vmem>> -> memref<128xi32, #tpu.memory_space<vmem>>
    %dma_wait3A_48 = arith.constant 0 : i32
    %dma_wait3A_49 = arith.constant 0 : i32
    %dma_wait3A_50 = tpu.memref_slice %arg2[%dma_wait3A_48, %dma_wait3A_49] : memref<10000x32xf32, #tpu.memory_space<hbm>> -> memref<10000x32xf32, #tpu.memory_space<hbm>>
    tpu.wait_indirect_dma semaphore(%arg14 : memref<!tpu.dma_semaphore, #tpu.memory_space<semaphore_mem>>) src(%dma_wait3A_50 : memref<10000x32xf32, #tpu.memory_space<hbm>>) dst(%arg9 : memref<128x32xf32, #tpu.memory_space<vmem>>)
    %dma_start3A_51 = arith.constant 1 : i32
    %dma_start3A_52 = arith.constant 0 : i32
    %dma_start3A_53 = tpu.memref_slice %arg7[%dma_start3A_51, %dma_start3A_52] : memref<80x128xi32, #tpu.memory_space<vmem>> -> memref<1x128xi32, #tpu.memory_space<vmem>>
    %dma_start3A_54 = tpu.memref_squeeze %dma_start3A_53 : memref<1x128xi32, #tpu.memory_space<vmem>> -> memref<128xi32, #tpu.memory_space<vmem>>
    %dma_start3A_55 = arith.constant 0 : i32
    %dma_start3A_56 = arith.constant 0 : i32
    %dma_start3A_57 = tpu.memref_slice %arg12[%dma_start3A_55, %dma_start3A_56] : memref<10240x32xf32, #tpu.memory_space<vmem_shared>> -> memref<10240x32xf32, #tpu.memory_space<vmem_shared>>
    tpu.enqueue_indirect_dma source(%arg9 : memref<128x32xf32, #tpu.memory_space<vmem>>) target(%dma_start3A_57 : memref<10240x32xf32, #tpu.memory_space<vmem_shared>>) offsets(%dma_start3A_54 : memref<128xi32, #tpu.memory_space<vmem>>) semaphore(%arg18 : memref<!tpu.dma_semaphore, #tpu.memory_space<semaphore_mem>>) {add = true}
    %scan3A = arith.constant 0 : i32
    %scan3A_58 = arith.constant 0 : i32
    %scan3A_59 = arith.constant 19 : i32
    %scan3A_60 = arith.addi %scan3A_58, %scan3A_59 : i32
    %scan3A_61 = arith.constant 1 : i32
    scf.for %scan3A_120 = %scan3A_58 to %scan3A_60 step %scan3A_61  : i32 {
      %mul3A_121 = arith.constant 4 : i32
      %mul3A_122 = arith.muli %mul3A_121, %scan3A_120 : i32
      %add3A_123 = arith.constant 2 : i32
      %add3A_124 = arith.addi %mul3A_122, %add3A_123 : i32
      %sub3A = arith.constant 2 : i32
      %sub3A_125 = arith.subi %add3A_124, %sub3A : i32
      %dma_wait3A_126 = arith.constant 0 : i32
      %dma_wait3A_127 = tpu.memref_slice %arg7[%sub3A_125, %dma_wait3A_126] : memref<80x128xi32, #tpu.memory_space<vmem>> -> memref<1x128xi32, #tpu.memory_space<vmem>>
      %dma_wait3A_128 = tpu.memref_squeeze %dma_wait3A_127 : memref<1x128xi32, #tpu.memory_space<vmem>> -> memref<128xi32, #tpu.memory_space<vmem>>
      %dma_wait3A_129 = arith.constant 0 : i32
      %dma_wait3A_130 = arith.constant 0 : i32
      %dma_wait3A_131 = tpu.memref_slice %arg12[%dma_wait3A_129, %dma_wait3A_130] : memref<10240x32xf32, #tpu.memory_space<vmem_shared>> -> memref<10240x32xf32, #tpu.memory_space<vmem_shared>>
      tpu.wait_indirect_dma semaphore(%arg17 : memref<!tpu.dma_semaphore, #tpu.memory_space<semaphore_mem>>) src(%arg8 : memref<128x32xf32, #tpu.memory_space<vmem>>) dst(%dma_wait3A_131 : memref<10240x32xf32, #tpu.memory_space<vmem_shared>>)
      %add3A_132 = arith.constant 2 : i32
      %add3A_133 = arith.addi %add3A_124, %add3A_132 : i32
      %dma_start3A_134 = arith.constant 0 : i32
      %dma_start3A_135 = tpu.memref_slice %arg6[%add3A_133, %dma_start3A_134] : memref<80x128xi32, #tpu.memory_space<vmem>> -> memref<1x128xi32, #tpu.memory_space<vmem>>
      %dma_start3A_136 = tpu.memref_squeeze %dma_start3A_135 : memref<1x128xi32, #tpu.memory_space<vmem>> -> memref<128xi32, #tpu.memory_space<vmem>>
      %dma_start3A_137 = arith.constant 0 : i32
      %dma_start3A_138 = arith.constant 0 : i32
      %dma_start3A_139 = tpu.memref_slice %arg2[%dma_start3A_137, %dma_start3A_138] : memref<10000x32xf32, #tpu.memory_space<hbm>> -> memref<10000x32xf32, #tpu.memory_space<hbm>>
      tpu.enqueue_indirect_dma source(%dma_start3A_139 : memref<10000x32xf32, #tpu.memory_space<hbm>>) target(%arg8 : memref<128x32xf32, #tpu.memory_space<vmem>>) offsets(%dma_start3A_136 : memref<128xi32, #tpu.memory_space<vmem>>) semaphore(%arg13 : memref<!tpu.dma_semaphore, #tpu.memory_space<semaphore_mem>>)
      %dma_wait3A_140 = arith.constant 0 : i32
      %dma_wait3A_141 = tpu.memref_slice %arg6[%add3A_124, %dma_wait3A_140] : memref<80x128xi32, #tpu.memory_space<vmem>> -> memref<1x128xi32, #tpu.memory_space<vmem>>
      %dma_wait3A_142 = tpu.memref_squeeze %dma_wait3A_141 : memref<1x128xi32, #tpu.memory_space<vmem>> -> memref<128xi32, #tpu.memory_space<vmem>>
      %dma_wait3A_143 = arith.constant 0 : i32
      %dma_wait3A_144 = arith.constant 0 : i32
      %dma_wait3A_145 = tpu.memref_slice %arg2[%dma_wait3A_143, %dma_wait3A_144] : memref<10000x32xf32, #tpu.memory_space<hbm>> -> memref<10000x32xf32, #tpu.memory_space<hbm>>
      tpu.wait_indirect_dma semaphore(%arg15 : memref<!tpu.dma_semaphore, #tpu.memory_space<semaphore_mem>>) src(%dma_wait3A_145 : memref<10000x32xf32, #tpu.memory_space<hbm>>) dst(%arg10 : memref<128x32xf32, #tpu.memory_space<vmem>>)
      %dma_start3A_146 = arith.constant 0 : i32
      %dma_start3A_147 = tpu.memref_slice %arg7[%add3A_124, %dma_start3A_146] : memref<80x128xi32, #tpu.memory_space<vmem>> -> memref<1x128xi32, #tpu.memory_space<vmem>>
      %dma_start3A_148 = tpu.memref_squeeze %dma_start3A_147 : memref<1x128xi32, #tpu.memory_space<vmem>> -> memref<128xi32, #tpu.memory_space<vmem>>
      %dma_start3A_149 = arith.constant 0 : i32
      %dma_start3A_150 = arith.constant 0 : i32
      %dma_start3A_151 = tpu.memref_slice %arg12[%dma_start3A_149, %dma_start3A_150] : memref<10240x32xf32, #tpu.memory_space<vmem_shared>> -> memref<10240x32xf32, #tpu.memory_space<vmem_shared>>
      tpu.enqueue_indirect_dma source(%arg10 : memref<128x32xf32, #tpu.memory_space<vmem>>) target(%dma_start3A_151 : memref<10240x32xf32, #tpu.memory_space<vmem_shared>>) offsets(%dma_start3A_148 : memref<128xi32, #tpu.memory_space<vmem>>) semaphore(%arg19 : memref<!tpu.dma_semaphore, #tpu.memory_space<semaphore_mem>>) {add = true}
      %add3A_152 = arith.constant 1 : i32
      %add3A_153 = arith.addi %add3A_124, %add3A_152 : i32
      %sub3A_154 = arith.constant 2 : i32
      %sub3A_155 = arith.subi %add3A_153, %sub3A_154 : i32
      %dma_wait3A_156 = arith.constant 0 : i32
      %dma_wait3A_157 = tpu.memref_slice %arg7[%sub3A_155, %dma_wait3A_156] : memref<80x128xi32, #tpu.memory_space<vmem>> -> memref<1x128xi32, #tpu.memory_space<vmem>>
      %dma_wait3A_158 = tpu.memref_squeeze %dma_wait3A_157 : memref<1x128xi32, #tpu.memory_space<vmem>> -> memref<128xi32, #tpu.memory_space<vmem>>
      %dma_wait3A_159 = arith.constant 0 : i32
      %dma_wait3A_160 = arith.constant 0 : i32
      %dma_wait3A_161 = tpu.memref_slice %arg12[%dma_wait3A_159, %dma_wait3A_160] : memref<10240x32xf32, #tpu.memory_space<vmem_shared>> -> memref<10240x32xf32, #tpu.memory_space<vmem_shared>>
      tpu.wait_indirect_dma semaphore(%arg18 : memref<!tpu.dma_semaphore, #tpu.memory_space<semaphore_mem>>) src(%arg9 : memref<128x32xf32, #tpu.memory_space<vmem>>) dst(%dma_wait3A_161 : memref<10240x32xf32, #tpu.memory_space<vmem_shared>>)
      %add3A_162 = arith.constant 2 : i32
      %add3A_163 = arith.addi %add3A_153, %add3A_162 : i32
      %dma_start3A_164 = arith.constant 0 : i32
      %dma_start3A_165 = tpu.memref_slice %arg6[%add3A_163, %dma_start3A_164] : memref<80x128xi32, #tpu.memory_space<vmem>> -> memref<1x128xi32, #tpu.memory_space<vmem>>
      %dma_start3A_166 = tpu.memref_squeeze %dma_start3A_165 : memref<1x128xi32, #tpu.memory_space<vmem>> -> memref<128xi32, #tpu.memory_space<vmem>>
      %dma_start3A_167 = arith.constant 0 : i32
      %dma_start3A_168 = arith.constant 0 : i32
      %dma_start3A_169 = tpu.memref_slice %arg2[%dma_start3A_167, %dma_start3A_168] : memref<10000x32xf32, #tpu.memory_space<hbm>> -> memref<10000x32xf32, #tpu.memory_space<hbm>>
      tpu.enqueue_indirect_dma source(%dma_start3A_169 : memref<10000x32xf32, #tpu.memory_space<hbm>>) target(%arg9 : memref<128x32xf32, #tpu.memory_space<vmem>>) offsets(%dma_start3A_166 : memref<128xi32, #tpu.memory_space<vmem>>) semaphore(%arg14 : memref<!tpu.dma_semaphore, #tpu.memory_space<semaphore_mem>>)
      %dma_wait3A_170 = arith.constant 0 : i32
      %dma_wait3A_171 = tpu.memref_slice %arg6[%add3A_153, %dma_wait3A_170] : memref<80x128xi32, #tpu.memory_space<vmem>> -> memref<1x128xi32, #tpu.memory_space<vmem>>
      %dma_wait3A_172 = tpu.memref_squeeze %dma_wait3A_171 : memref<1x128xi32, #tpu.memory_space<vmem>> -> memref<128xi32, #tpu.memory_space<vmem>>
      %dma_wait3A_173 = arith.constant 0 : i32
      %dma_wait3A_174 = arith.constant 0 : i32
      %dma_wait3A_175 = tpu.memref_slice %arg2[%dma_wait3A_173, %dma_wait3A_174] : memref<10000x32xf32, #tpu.memory_space<hbm>> -> memref<10000x32xf32, #tpu.memory_space<hbm>>
      tpu.wait_indirect_dma semaphore(%arg16 : memref<!tpu.dma_semaphore, #tpu.memory_space<semaphore_mem>>) src(%dma_wait3A_175 : memref<10000x32xf32, #tpu.memory_space<hbm>>) dst(%arg11 : memref<128x32xf32, #tpu.memory_space<vmem>>)
      %dma_start3A_176 = arith.constant 0 : i32
      %dma_start3A_177 = tpu.memref_slice %arg7[%add3A_153, %dma_start3A_176] : memref<80x128xi32, #tpu.memory_space<vmem>> -> memref<1x128xi32, #tpu.memory_space<vmem>>
      %dma_start3A_178 = tpu.memref_squeeze %dma_start3A_177 : memref<1x128xi32, #tpu.memory_space<vmem>> -> memref<128xi32, #tpu.memory_space<vmem>>
      %dma_start3A_179 = arith.constant 0 : i32
      %dma_start3A_180 = arith.constant 0 : i32
      %dma_start3A_181 = tpu.memref_slice %arg12[%dma_start3A_179, %dma_start3A_180] : memref<10240x32xf32, #tpu.memory_space<vmem_shared>> -> memref<10240x32xf32, #tpu.memory_space<vmem_shared>>
      tpu.enqueue_indirect_dma source(%arg11 : memref<128x32xf32, #tpu.memory_space<vmem>>) target(%dma_start3A_181 : memref<10240x32xf32, #tpu.memory_space<vmem_shared>>) offsets(%dma_start3A_178 : memref<128xi32, #tpu.memory_space<vmem>>) semaphore(%arg20 : memref<!tpu.dma_semaphore, #tpu.memory_space<semaphore_mem>>) {add = true}
      %add3A_182 = arith.constant 2 : i32
      %add3A_183 = arith.addi %add3A_124, %add3A_182 : i32
      %sub3A_184 = arith.constant 2 : i32
      %sub3A_185 = arith.subi %add3A_183, %sub3A_184 : i32
      %dma_wait3A_186 = arith.constant 0 : i32
      %dma_wait3A_187 = tpu.memref_slice %arg7[%sub3A_185, %dma_wait3A_186] : memref<80x128xi32, #tpu.memory_space<vmem>> -> memref<1x128xi32, #tpu.memory_space<vmem>>
      %dma_wait3A_188 = tpu.memref_squeeze %dma_wait3A_187 : memref<1x128xi32, #tpu.memory_space<vmem>> -> memref<128xi32, #tpu.memory_space<vmem>>
      %dma_wait3A_189 = arith.constant 0 : i32
      %dma_wait3A_190 = arith.constant 0 : i32
      %dma_wait3A_191 = tpu.memref_slice %arg12[%dma_wait3A_189, %dma_wait3A_190] : memref<10240x32xf32, #tpu.memory_space<vmem_shared>> -> memref<10240x32xf32, #tpu.memory_space<vmem_shared>>
      tpu.wait_indirect_dma semaphore(%arg19 : memref<!tpu.dma_semaphore, #tpu.memory_space<semaphore_mem>>) src(%arg10 : memref<128x32xf32, #tpu.memory_space<vmem>>) dst(%dma_wait3A_191 : memref<10240x32xf32, #tpu.memory_space<vmem_shared>>)
      %add3A_192 = arith.constant 2 : i32
      %add3A_193 = arith.addi %add3A_183, %add3A_192 : i32
      %dma_start3A_194 = arith.constant 0 : i32
      %dma_start3A_195 = tpu.memref_slice %arg6[%add3A_193, %dma_start3A_194] : memref<80x128xi32, #tpu.memory_space<vmem>> -> memref<1x128xi32, #tpu.memory_space<vmem>>
      %dma_start3A_196 = tpu.memref_squeeze %dma_start3A_195 : memref<1x128xi32, #tpu.memory_space<vmem>> -> memref<128xi32, #tpu.memory_space<vmem>>
      %dma_start3A_197 = arith.constant 0 : i32
      %dma_start3A_198 = arith.constant 0 : i32
      %dma_start3A_199 = tpu.memref_slice %arg2[%dma_start3A_197, %dma_start3A_198] : memref<10000x32xf32, #tpu.memory_space<hbm>> -> memref<10000x32xf32, #tpu.memory_space<hbm>>
      tpu.enqueue_indirect_dma source(%dma_start3A_199 : memref<10000x32xf32, #tpu.memory_space<hbm>>) target(%arg10 : memref<128x32xf32, #tpu.memory_space<vmem>>) offsets(%dma_start3A_196 : memref<128xi32, #tpu.memory_space<vmem>>) semaphore(%arg15 : memref<!tpu.dma_semaphore, #tpu.memory_space<semaphore_mem>>)
      %dma_wait3A_200 = arith.constant 0 : i32
      %dma_wait3A_201 = tpu.memref_slice %arg6[%add3A_183, %dma_wait3A_200] : memref<80x128xi32, #tpu.memory_space<vmem>> -> memref<1x128xi32, #tpu.memory_space<vmem>>
      %dma_wait3A_202 = tpu.memref_squeeze %dma_wait3A_201 : memref<1x128xi32, #tpu.memory_space<vmem>> -> memref<128xi32, #tpu.memory_space<vmem>>
      %dma_wait3A_203 = arith.constant 0 : i32
      %dma_wait3A_204 = arith.constant 0 : i32
      %dma_wait3A_205 = tpu.memref_slice %arg2[%dma_wait3A_203, %dma_wait3A_204] : memref<10000x32xf32, #tpu.memory_space<hbm>> -> memref<10000x32xf32, #tpu.memory_space<hbm>>
      tpu.wait_indirect_dma semaphore(%arg13 : memref<!tpu.dma_semaphore, #tpu.memory_space<semaphore_mem>>) src(%dma_wait3A_205 : memref<10000x32xf32, #tpu.memory_space<hbm>>) dst(%arg8 : memref<128x32xf32, #tpu.memory_space<vmem>>)
      %dma_start3A_206 = arith.constant 0 : i32
      %dma_start3A_207 = tpu.memref_slice %arg7[%add3A_183, %dma_start3A_206] : memref<80x128xi32, #tpu.memory_space<vmem>> -> memref<1x128xi32, #tpu.memory_space<vmem>>
      %dma_start3A_208 = tpu.memref_squeeze %dma_start3A_207 : memref<1x128xi32, #tpu.memory_space<vmem>> -> memref<128xi32, #tpu.memory_space<vmem>>
      %dma_start3A_209 = arith.constant 0 : i32
      %dma_start3A_210 = arith.constant 0 : i32
      %dma_start3A_211 = tpu.memref_slice %arg12[%dma_start3A_209, %dma_start3A_210] : memref<10240x32xf32, #tpu.memory_space<vmem_shared>> -> memref<10240x32xf32, #tpu.memory_space<vmem_shared>>
      tpu.enqueue_indirect_dma source(%arg8 : memref<128x32xf32, #tpu.memory_space<vmem>>) target(%dma_start3A_211 : memref<10240x32xf32, #tpu.memory_space<vmem_shared>>) offsets(%dma_start3A_208 : memref<128xi32, #tpu.memory_space<vmem>>) semaphore(%arg17 : memref<!tpu.dma_semaphore, #tpu.memory_space<semaphore_mem>>) {add = true}
      %add3A_212 = arith.constant 3 : i32
      %add3A_213 = arith.addi %add3A_124, %add3A_212 : i32
      %sub3A_214 = arith.constant 2 : i32
      %sub3A_215 = arith.subi %add3A_213, %sub3A_214 : i32
      %dma_wait3A_216 = arith.constant 0 : i32
      %dma_wait3A_217 = tpu.memref_slice %arg7[%sub3A_215, %dma_wait3A_216] : memref<80x128xi32, #tpu.memory_space<vmem>> -> memref<1x128xi32, #tpu.memory_space<vmem>>
      %dma_wait3A_218 = tpu.memref_squeeze %dma_wait3A_217 : memref<1x128xi32, #tpu.memory_space<vmem>> -> memref<128xi32, #tpu.memory_space<vmem>>
      %dma_wait3A_219 = arith.constant 0 : i32
      %dma_wait3A_220 = arith.constant 0 : i32
      %dma_wait3A_221 = tpu.memref_slice %arg12[%dma_wait3A_219, %dma_wait3A_220] : memref<10240x32xf32, #tpu.memory_space<vmem_shared>> -> memref<10240x32xf32, #tpu.memory_space<vmem_shared>>
      tpu.wait_indirect_dma semaphore(%arg20 : memref<!tpu.dma_semaphore, #tpu.memory_space<semaphore_mem>>) src(%arg11 : memref<128x32xf32, #tpu.memory_space<vmem>>) dst(%dma_wait3A_221 : memref<10240x32xf32, #tpu.memory_space<vmem_shared>>)
      %add3A_222 = arith.constant 2 : i32
      %add3A_223 = arith.addi %add3A_213, %add3A_222 : i32
      %dma_start3A_224 = arith.constant 0 : i32
      %dma_start3A_225 = tpu.memref_slice %arg6[%add3A_223, %dma_start3A_224] : memref<80x128xi32, #tpu.memory_space<vmem>> -> memref<1x128xi32, #tpu.memory_space<vmem>>
      %dma_start3A_226 = tpu.memref_squeeze %dma_start3A_225 : memref<1x128xi32, #tpu.memory_space<vmem>> -> memref<128xi32, #tpu.memory_space<vmem>>
      %dma_start3A_227 = arith.constant 0 : i32
      %dma_start3A_228 = arith.constant 0 : i32
      %dma_start3A_229 = tpu.memref_slice %arg2[%dma_start3A_227, %dma_start3A_228] : memref<10000x32xf32, #tpu.memory_space<hbm>> -> memref<10000x32xf32, #tpu.memory_space<hbm>>
      tpu.enqueue_indirect_dma source(%dma_start3A_229 : memref<10000x32xf32, #tpu.memory_space<hbm>>) target(%arg11 : memref<128x32xf32, #tpu.memory_space<vmem>>) offsets(%dma_start3A_226 : memref<128xi32, #tpu.memory_space<vmem>>) semaphore(%arg16 : memref<!tpu.dma_semaphore, #tpu.memory_space<semaphore_mem>>)
      %dma_wait3A_230 = arith.constant 0 : i32
      %dma_wait3A_231 = tpu.memref_slice %arg6[%add3A_213, %dma_wait3A_230] : memref<80x128xi32, #tpu.memory_space<vmem>> -> memref<1x128xi32, #tpu.memory_space<vmem>>
      %dma_wait3A_232 = tpu.memref_squeeze %dma_wait3A_231 : memref<1x128xi32, #tpu.memory_space<vmem>> -> memref<128xi32, #tpu.memory_space<vmem>>
      %dma_wait3A_233 = arith.constant 0 : i32
      %dma_wait3A_234 = arith.constant 0 : i32
      %dma_wait3A_235 = tpu.memref_slice %arg2[%dma_wait3A_233, %dma_wait3A_234] : memref<10000x32xf32, #tpu.memory_space<hbm>> -> memref<10000x32xf32, #tpu.memory_space<hbm>>
      tpu.wait_indirect_dma semaphore(%arg14 : memref<!tpu.dma_semaphore, #tpu.memory_space<semaphore_mem>>) src(%dma_wait3A_235 : memref<10000x32xf32, #tpu.memory_space<hbm>>) dst(%arg9 : memref<128x32xf32, #tpu.memory_space<vmem>>)
      %dma_start3A_236 = arith.constant 0 : i32
      %dma_start3A_237 = tpu.memref_slice %arg7[%add3A_213, %dma_start3A_236] : memref<80x128xi32, #tpu.memory_space<vmem>> -> memref<1x128xi32, #tpu.memory_space<vmem>>
      %dma_start3A_238 = tpu.memref_squeeze %dma_start3A_237 : memref<1x128xi32, #tpu.memory_space<vmem>> -> memref<128xi32, #tpu.memory_space<vmem>>
      %dma_start3A_239 = arith.constant 0 : i32
      %dma_start3A_240 = arith.constant 0 : i32
      %dma_start3A_241 = tpu.memref_slice %arg12[%dma_start3A_239, %dma_start3A_240] : memref<10240x32xf32, #tpu.memory_space<vmem_shared>> -> memref<10240x32xf32, #tpu.memory_space<vmem_shared>>
      tpu.enqueue_indirect_dma source(%arg9 : memref<128x32xf32, #tpu.memory_space<vmem>>) target(%dma_start3A_241 : memref<10240x32xf32, #tpu.memory_space<vmem_shared>>) offsets(%dma_start3A_238 : memref<128xi32, #tpu.memory_space<vmem>>) semaphore(%arg18 : memref<!tpu.dma_semaphore, #tpu.memory_space<semaphore_mem>>) {add = true}
    }
    %scan3A_62 = arith.constant 19 : i32
    %dma_wait3A_63 = arith.constant 76 : i32
    %dma_wait3A_64 = arith.constant 0 : i32
    %dma_wait3A_65 = tpu.memref_slice %arg7[%dma_wait3A_63, %dma_wait3A_64] : memref<80x128xi32, #tpu.memory_space<vmem>> -> memref<1x128xi32, #tpu.memory_space<vmem>>
    %dma_wait3A_66 = tpu.memref_squeeze %dma_wait3A_65 : memref<1x128xi32, #tpu.memory_space<vmem>> -> memref<128xi32, #tpu.memory_space<vmem>>
    %dma_wait3A_67 = arith.constant 0 : i32
    %dma_wait3A_68 = arith.constant 0 : i32
    %dma_wait3A_69 = tpu.memref_slice %arg12[%dma_wait3A_67, %dma_wait3A_68] : memref<10240x32xf32, #tpu.memory_space<vmem_shared>> -> memref<10240x32xf32, #tpu.memory_space<vmem_shared>>
    tpu.wait_indirect_dma semaphore(%arg17 : memref<!tpu.dma_semaphore, #tpu.memory_space<semaphore_mem>>) src(%arg8 : memref<128x32xf32, #tpu.memory_space<vmem>>) dst(%dma_wait3A_69 : memref<10240x32xf32, #tpu.memory_space<vmem_shared>>)
    %dma_wait3A_70 = arith.constant 78 : i32
    %dma_wait3A_71 = arith.constant 0 : i32
    %dma_wait3A_72 = tpu.memref_slice %arg6[%dma_wait3A_70, %dma_wait3A_71] : memref<80x128xi32, #tpu.memory_space<vmem>> -> memref<1x128xi32, #tpu.memory_space<vmem>>
    %dma_wait3A_73 = tpu.memref_squeeze %dma_wait3A_72 : memref<1x128xi32, #tpu.memory_space<vmem>> -> memref<128xi32, #tpu.memory_space<vmem>>
    %dma_wait3A_74 = arith.constant 0 : i32
    %dma_wait3A_75 = arith.constant 0 : i32
    %dma_wait3A_76 = tpu.memref_slice %arg2[%dma_wait3A_74, %dma_wait3A_75] : memref<10000x32xf32, #tpu.memory_space<hbm>> -> memref<10000x32xf32, #tpu.memory_space<hbm>>
    tpu.wait_indirect_dma semaphore(%arg15 : memref<!tpu.dma_semaphore, #tpu.memory_space<semaphore_mem>>) src(%dma_wait3A_76 : memref<10000x32xf32, #tpu.memory_space<hbm>>) dst(%arg10 : memref<128x32xf32, #tpu.memory_space<vmem>>)
    %dma_start3A_77 = arith.constant 78 : i32
    %dma_start3A_78 = arith.constant 0 : i32
    %dma_start3A_79 = tpu.memref_slice %arg7[%dma_start3A_77, %dma_start3A_78] : memref<80x128xi32, #tpu.memory_space<vmem>> -> memref<1x128xi32, #tpu.memory_space<vmem>>
    %dma_start3A_80 = tpu.memref_squeeze %dma_start3A_79 : memref<1x128xi32, #tpu.memory_space<vmem>> -> memref<128xi32, #tpu.memory_space<vmem>>
    %dma_start3A_81 = arith.constant 0 : i32
    %dma_start3A_82 = arith.constant 0 : i32
    %dma_start3A_83 = tpu.memref_slice %arg12[%dma_start3A_81, %dma_start3A_82] : memref<10240x32xf32, #tpu.memory_space<vmem_shared>> -> memref<10240x32xf32, #tpu.memory_space<vmem_shared>>
    tpu.enqueue_indirect_dma source(%arg10 : memref<128x32xf32, #tpu.memory_space<vmem>>) target(%dma_start3A_83 : memref<10240x32xf32, #tpu.memory_space<vmem_shared>>) offsets(%dma_start3A_80 : memref<128xi32, #tpu.memory_space<vmem>>) semaphore(%arg19 : memref<!tpu.dma_semaphore, #tpu.memory_space<semaphore_mem>>) {add = true}
    %dma_wait3A_84 = arith.constant 77 : i32
    %dma_wait3A_85 = arith.constant 0 : i32
    %dma_wait3A_86 = tpu.memref_slice %arg7[%dma_wait3A_84, %dma_wait3A_85] : memref<80x128xi32, #tpu.memory_space<vmem>> -> memref<1x128xi32, #tpu.memory_space<vmem>>
    %dma_wait3A_87 = tpu.memref_squeeze %dma_wait3A_86 : memref<1x128xi32, #tpu.memory_space<vmem>> -> memref<128xi32, #tpu.memory_space<vmem>>
    %dma_wait3A_88 = arith.constant 0 : i32
    %dma_wait3A_89 = arith.constant 0 : i32
    %dma_wait3A_90 = tpu.memref_slice %arg12[%dma_wait3A_88, %dma_wait3A_89] : memref<10240x32xf32, #tpu.memory_space<vmem_shared>> -> memref<10240x32xf32, #tpu.memory_space<vmem_shared>>
    tpu.wait_indirect_dma semaphore(%arg18 : memref<!tpu.dma_semaphore, #tpu.memory_space<semaphore_mem>>) src(%arg9 : memref<128x32xf32, #tpu.memory_space<vmem>>) dst(%dma_wait3A_90 : memref<10240x32xf32, #tpu.memory_space<vmem_shared>>)
    %dma_wait3A_91 = arith.constant 79 : i32
    %dma_wait3A_92 = arith.constant 0 : i32
    %dma_wait3A_93 = tpu.memref_slice %arg6[%dma_wait3A_91, %dma_wait3A_92] : memref<80x128xi32, #tpu.memory_space<vmem>> -> memref<1x128xi32, #tpu.memory_space<vmem>>
    %dma_wait3A_94 = tpu.memref_squeeze %dma_wait3A_93 : memref<1x128xi32, #tpu.memory_space<vmem>> -> memref<128xi32, #tpu.memory_space<vmem>>
    %dma_wait3A_95 = arith.constant 0 : i32
    %dma_wait3A_96 = arith.constant 0 : i32
    %dma_wait3A_97 = tpu.memref_slice %arg2[%dma_wait3A_95, %dma_wait3A_96] : memref<10000x32xf32, #tpu.memory_space<hbm>> -> memref<10000x32xf32, #tpu.memory_space<hbm>>
    tpu.wait_indirect_dma semaphore(%arg16 : memref<!tpu.dma_semaphore, #tpu.memory_space<semaphore_mem>>) src(%dma_wait3A_97 : memref<10000x32xf32, #tpu.memory_space<hbm>>) dst(%arg11 : memref<128x32xf32, #tpu.memory_space<vmem>>)
    %dma_start3A_98 = arith.constant 79 : i32
    %dma_start3A_99 = arith.constant 0 : i32
    %dma_start3A_100 = tpu.memref_slice %arg7[%dma_start3A_98, %dma_start3A_99] : memref<80x128xi32, #tpu.memory_space<vmem>> -> memref<1x128xi32, #tpu.memory_space<vmem>>
    %dma_start3A_101 = tpu.memref_squeeze %dma_start3A_100 : memref<1x128xi32, #tpu.memory_space<vmem>> -> memref<128xi32, #tpu.memory_space<vmem>>
    %dma_start3A_102 = arith.constant 0 : i32
    %dma_start3A_103 = arith.constant 0 : i32
    %dma_start3A_104 = tpu.memref_slice %arg12[%dma_start3A_102, %dma_start3A_103] : memref<10240x32xf32, #tpu.memory_space<vmem_shared>> -> memref<10240x32xf32, #tpu.memory_space<vmem_shared>>
    tpu.enqueue_indirect_dma source(%arg11 : memref<128x32xf32, #tpu.memory_space<vmem>>) target(%dma_start3A_104 : memref<10240x32xf32, #tpu.memory_space<vmem_shared>>) offsets(%dma_start3A_101 : memref<128xi32, #tpu.memory_space<vmem>>) semaphore(%arg20 : memref<!tpu.dma_semaphore, #tpu.memory_space<semaphore_mem>>) {add = true}
    %dma_wait3A_105 = arith.constant 78 : i32
    %dma_wait3A_106 = arith.constant 0 : i32
    %dma_wait3A_107 = tpu.memref_slice %arg7[%dma_wait3A_105, %dma_wait3A_106] : memref<80x128xi32, #tpu.memory_space<vmem>> -> memref<1x128xi32, #tpu.memory_space<vmem>>
    %dma_wait3A_108 = tpu.memref_squeeze %dma_wait3A_107 : memref<1x128xi32, #tpu.memory_space<vmem>> -> memref<128xi32, #tpu.memory_space<vmem>>
    %dma_wait3A_109 = arith.constant 0 : i32
    %dma_wait3A_110 = arith.constant 0 : i32
    %dma_wait3A_111 = tpu.memref_slice %arg12[%dma_wait3A_109, %dma_wait3A_110] : memref<10240x32xf32, #tpu.memory_space<vmem_shared>> -> memref<10240x32xf32, #tpu.memory_space<vmem_shared>>
    tpu.wait_indirect_dma semaphore(%arg19 : memref<!tpu.dma_semaphore, #tpu.memory_space<semaphore_mem>>) src(%arg10 : memref<128x32xf32, #tpu.memory_space<vmem>>) dst(%dma_wait3A_111 : memref<10240x32xf32, #tpu.memory_space<vmem_shared>>)
    %dma_wait3A_112 = arith.constant 79 : i32
    %dma_wait3A_113 = arith.constant 0 : i32
    %dma_wait3A_114 = tpu.memref_slice %arg7[%dma_wait3A_112, %dma_wait3A_113] : memref<80x128xi32, #tpu.memory_space<vmem>> -> memref<1x128xi32, #tpu.memory_space<vmem>>
    %dma_wait3A_115 = tpu.memref_squeeze %dma_wait3A_114 : memref<1x128xi32, #tpu.memory_space<vmem>> -> memref<128xi32, #tpu.memory_space<vmem>>
    %dma_wait3A_116 = arith.constant 0 : i32
    %dma_wait3A_117 = arith.constant 0 : i32
    %dma_wait3A_118 = tpu.memref_slice %arg12[%dma_wait3A_116, %dma_wait3A_117] : memref<10240x32xf32, #tpu.memory_space<vmem_shared>> -> memref<10240x32xf32, #tpu.memory_space<vmem_shared>>
    tpu.wait_indirect_dma semaphore(%arg20 : memref<!tpu.dma_semaphore, #tpu.memory_space<semaphore_mem>>) src(%arg11 : memref<128x32xf32, #tpu.memory_space<vmem>>) dst(%dma_wait3A_118 : memref<10240x32xf32, #tpu.memory_space<vmem_shared>>)
    %barrier3A_119 = arith.constant 0 : index
    tpu.barrier barrier_id(%barrier3A_119)
    "tpu.region"() ({
      %run_scoped3A_120 = tpu.sem_alloc : memref<!tpu.dma_semaphore, #tpu.memory_space<semaphore_mem>>
      %dma_start3A_121 = arith.constant 0 : i32
      %dma_start3A_122 = tpu.memref_slice %arg5[%arg0, %mul3A_2, %dma_start3A_121] : memref<2x10240x32xf32, #tpu.memory_space<hbm>> -> memref<1x640x32xf32, #tpu.memory_space<hbm>>
      %dma_start3A_123 = tpu.memref_squeeze %dma_start3A_122 : memref<1x640x32xf32, #tpu.memory_space<hbm>> -> memref<640x32xf32, #tpu.memory_space<hbm>>
      %dma_start3A_124 = arith.constant 0 : i32
      %dma_start3A_125 = tpu.memref_slice %arg12[%mul3A_2, %dma_start3A_124] : memref<10240x32xf32, #tpu.memory_space<vmem_shared>> -> memref<640x32xf32, #tpu.memory_space<vmem_shared>>
      tpu.enqueue_dma source(%dma_start3A_125 : memref<640x32xf32, #tpu.memory_space<vmem_shared>>) target(%dma_start3A_123 : memref<640x32xf32, #tpu.memory_space<hbm>>) target_semaphore(%run_scoped3A_120 : memref<!tpu.dma_semaphore, #tpu.memory_space<semaphore_mem>>)
      %dma_wait3A_126 = arith.constant 0 : i32
      %dma_wait3A_127 = tpu.memref_slice %arg5[%arg0, %mul3A_2, %dma_wait3A_126] : memref<2x10240x32xf32, #tpu.memory_space<hbm>> -> memref<1x640x32xf32, #tpu.memory_space<hbm>>
      %dma_wait3A_128 = tpu.memref_squeeze %dma_wait3A_127 : memref<1x640x32xf32, #tpu.memory_space<hbm>> -> memref<640x32xf32, #tpu.memory_space<hbm>>
      %dma_wait3A_129 = arith.constant 0 : i32
      %dma_wait3A_130 = tpu.memref_slice %arg12[%mul3A_2, %dma_wait3A_129] : memref<10240x32xf32, #tpu.memory_space<vmem_shared>> -> memref<640x32xf32, #tpu.memory_space<vmem_shared>>
      tpu.wait_dma2 semaphore(%run_scoped3A_120 : memref<!tpu.dma_semaphore, #tpu.memory_space<semaphore_mem>>) src(%dma_wait3A_130 : memref<640x32xf32, #tpu.memory_space<vmem_shared>>) dst(%dma_wait3A_128 : memref<640x32xf32, #tpu.memory_space<hbm>>)
      tpu.yield
    }) : () -> ()
    return
  }
}

module attributes {stable_mosaic.version = 14 : i64} {
  func.func @body(%arg0: memref<10000x128xf32, #tpu.memory_space<vmem>>, %arg1: memref<128x32xf32, #tpu.memory_space<vmem>>, %arg2: memref<32x10240xf32, #tpu.memory_space<vmem>>, %arg3: memref<10000x32xf32, #tpu.memory_space<vmem>>, %arg4: memref<10000x1xf32, #tpu.memory_space<vmem>>) attributes {dimension_semantics = [], scalar_prefetch = 0 : i64, scratch_operands = 0 : i64, tpu.core_type = #tpu.core_type<tc>} {
    %get3A = arith.constant 0 : index
    %get3A_0 = arith.constant 0 : index
    %get3A_1 = vector.load %arg2[%get3A, %get3A_0] : memref<32x10240xf32, #tpu.memory_space<vmem>>, vector<32x10240xf32>
    %reduce_sum3A = arith.constant dense<0.000000e+00> : vector<10240xf32>
    %reduce_sum3A_2 = vector.multi_reduction <add>, %get3A_1, %reduce_sum3A [0] : vector<32x10240xf32> to vector<10240xf32>
    %slice3A = vector.extract_strided_slice %reduce_sum3A_2 {offsets = [0], sizes = [10000], strides = [1]} : vector<10240xf32> to vector<10000xf32>
    %broadcast_in_dim3A = vector.shape_cast %slice3A : vector<10000xf32> to vector<10000x1xf32>
    %add3A = arith.constant 1.000000e+00 : f32
    %add3A_3 = vector.broadcast %add3A : f32 to vector<10000x1xf32>
    %add3A_4 = arith.addf %broadcast_in_dim3A, %add3A_3 : vector<10000x1xf32>
    %rsqrt3A = math.rsqrt %add3A_4 : vector<10000x1xf32>
    %get3A_5 = arith.constant 0 : index
    %get3A_6 = arith.constant 0 : index
    %get3A_7 = vector.load %arg0[%get3A_5, %get3A_6] : memref<10000x128xf32, #tpu.memory_space<vmem>>, vector<10000x128xf32>
    %get3A_8 = arith.constant 0 : index
    %get3A_9 = arith.constant 0 : index
    %get3A_10 = vector.load %arg1[%get3A_8, %get3A_9] : memref<128x32xf32, #tpu.memory_space<vmem>>, vector<128x32xf32>
    %dot_general3A = arith.constant dense<0.000000e+00> : vector<10000x32xf32>
    %dot_general3A_11 = tpu.matmul %get3A_7, %get3A_10, %dot_general3A {dimension_numbers = #tpu.dot_dimension_numbers<[1], [0], [0], [1], [0, 0, 1, 1], [], []>, transpose_lhs_hint = false} : vector<10000x128xf32>, vector<128x32xf32>, vector<10000x32xf32> -> vector<10000x32xf32>
    %mul3A = vector.broadcast %rsqrt3A : vector<10000x1xf32> to vector<10000x32xf32>
    %mul3A_12 = arith.mulf %dot_general3A_11, %mul3A : vector<10000x32xf32>
    %swap3A = arith.constant 0 : index
    %swap3A_13 = arith.constant 0 : index
    %swap3A_14 = vector.load %arg3[%swap3A, %swap3A_13] : memref<10000x32xf32, #tpu.memory_space<vmem>>, vector<10000x32xf32>
    tpu.vector_store %arg3[%swap3A, %swap3A_13], %mul3A_12 {strides = array<i32>} : memref<10000x32xf32, #tpu.memory_space<vmem>>, vector<10000x32xf32>,
    %swap3A_15 = arith.constant 0 : index
    %swap3A_16 = arith.constant 0 : index
    %swap3A_17 = vector.load %arg4[%swap3A_15, %swap3A_16] : memref<10000x1xf32, #tpu.memory_space<vmem>>, vector<10000x1xf32>
    tpu.vector_store %arg4[%swap3A_15, %swap3A_16], %rsqrt3A {strides = array<i32>} : memref<10000x1xf32, #tpu.memory_space<vmem>>, vector<10000x1xf32>,
    return
  }
}

module attributes {stable_mosaic.version = 14 : i64} {
  func.func @body(%arg0: memref<2x10240x32xf32, #tpu.memory_space<vmem>>, %arg1: memref<10000x32xf32, #tpu.memory_space<vmem>>, %arg2: memref<10000x1xf32, #tpu.memory_space<vmem>>, %arg3: memref<1x32xf32, #tpu.memory_space<vmem>>, %arg4: memref<10000x16xf32, #tpu.memory_space<vmem>>, %arg5: memref<10000x16xf32, #tpu.memory_space<vmem>>) attributes {dimension_semantics = [], scalar_prefetch = 0 : i64, scratch_operands = 0 : i64, tpu.core_type = #tpu.core_type<tc>} {
    %get3A = arith.constant 0 : index
    %get3A_0 = arith.constant 0 : index
    %get3A_1 = arith.constant 0 : index
    %get3A_2 = vector.load %arg0[%get3A, %get3A_0, %get3A_1] : memref<2x10240x32xf32, #tpu.memory_space<vmem>>, vector<1x10000x32xf32>
    %get3A_3 = vector.shape_cast %get3A_2 : vector<1x10000x32xf32> to vector<10000x32xf32>
    %get3A_4 = arith.constant 1 : index
    %get3A_5 = arith.constant 0 : index
    %get3A_6 = arith.constant 0 : index
    %get3A_7 = vector.load %arg0[%get3A_4, %get3A_5, %get3A_6] : memref<2x10240x32xf32, #tpu.memory_space<vmem>>, vector<1x10000x32xf32>
    %get3A_8 = vector.shape_cast %get3A_7 : vector<1x10000x32xf32> to vector<10000x32xf32>
    %add3A = arith.addf %get3A_3, %get3A_8 : vector<10000x32xf32>
    %get3A_9 = arith.constant 0 : index
    %get3A_10 = arith.constant 0 : index
    %get3A_11 = vector.load %arg1[%get3A_9, %get3A_10] : memref<10000x32xf32, #tpu.memory_space<vmem>>, vector<10000x32xf32>
    %add3A_12 = arith.addf %add3A, %get3A_11 : vector<10000x32xf32>
    %get3A_13 = arith.constant 0 : index
    %get3A_14 = arith.constant 0 : index
    %get3A_15 = vector.load %arg2[%get3A_13, %get3A_14] : memref<10000x1xf32, #tpu.memory_space<vmem>>, vector<10000x1xf32>
    %mul3A = vector.broadcast %get3A_15 : vector<10000x1xf32> to vector<10000x32xf32>
    %mul3A_16 = arith.mulf %mul3A, %add3A_12 : vector<10000x32xf32>
    %get3A_17 = arith.constant 0 : index
    %get3A_18 = arith.constant 0 : index
    %get3A_19 = vector.load %arg3[%get3A_17, %get3A_18] : memref<1x32xf32, #tpu.memory_space<vmem>>, vector<1x32xf32>
    %add3A_20 = vector.broadcast %get3A_19 : vector<1x32xf32> to vector<10000x32xf32>
    %add3A_21 = arith.addf %mul3A_16, %add3A_20 : vector<10000x32xf32>
    %slice3A = vector.extract_strided_slice %add3A_21 {offsets = [0, 0], sizes = [10000, 16], strides = [1, 1]} : vector<10000x32xf32> to vector<10000x16xf32>
    %swap3A = arith.constant 0 : index
    %swap3A_22 = arith.constant 0 : index
    %swap3A_23 = vector.load %arg4[%swap3A, %swap3A_22] : memref<10000x16xf32, #tpu.memory_space<vmem>>, vector<10000x16xf32>
    tpu.vector_store %arg4[%swap3A, %swap3A_22], %slice3A {strides = array<i32>} : memref<10000x16xf32, #tpu.memory_space<vmem>>, vector<10000x16xf32>,
    %slice3A_24 = vector.extract_strided_slice %add3A_21 {offsets = [0, 16], sizes = [10000, 16], strides = [1, 1]} : vector<10000x32xf32> to vector<10000x16xf32>
    %swap3A_25 = arith.constant 0 : index
    %swap3A_26 = arith.constant 0 : index
    %swap3A_27 = vector.load %arg5[%swap3A_25, %swap3A_26] : memref<10000x16xf32, #tpu.memory_space<vmem>>, vector<10000x16xf32>
    tpu.vector_store %arg5[%swap3A_25, %swap3A_26], %slice3A_24 {strides = array<i32>} : memref<10000x16xf32, #tpu.memory_space<vmem>>, vector<10000x16xf32>,
    return
  }
}

</mosaic_0001>

<sc_bundles>
// kernel: kernel.6.cloned.1.call-start
scs
__scs_entry_jumppad:
0x0: {  	(pc) =	sbr.rel $0x88, $3  }
0x1: {  	(tag) =	ssettag $0x0;
	lr =	simm.s32 $0x1  }
0x2: {  	[smem:$0x3F9B] =	sst lr;
	_ =	strace $0xD0000000  }
0x3: {  	_ = 	snop  }
0x4: {  	_ = 	snop  }
0x5: {  	_ = 	snop  }
0x6: {  	_ = 	snop  }
0x7: {  	_ = 	snop  }
__scs_overlays_trampoline_lowered:
0x8: {  	[smem:$0x3FAA] =	sst s0  }
0x9: {  	[smem:$0x3FAB] =	sst s1  }
0xa: {  	[smem:$0x3FAC] =	sst s2  }
0xb: {  	[smem:$0x3FAD] =	sst s3  }
0xc: {  	[smem:$0x3FAE] =	sst s4  }
0xd: {  	[smem:$0x3FAF] =	sst s5  }
0xe: {  	[smem:$0x3FB0] =	sst s6  }
0xf: {  	[smem:$0x3FB1] =	sst s7  }
0x10: {  	[smem:$0x3FB2] =	sst s8  }
0x11: {  	[smem:$0x3FB3] =	sst s9;
	s0 =	simm.s32 @!p0 $0x0  }
0x12: {  	s1 =	sld [smem:$0x3F99];
	s0 =	simm.s32 @p0 $0x1  }
0x13: {  	[smem:$0x3FB4] =	sst s0;
	s0 =	simm.s32 @!p1 $0x0  }
0x14: {  	s2 =	sld [smem:$0x3F98];
	s0 =	simm.s32 @p1 $0x1  }
0x15: {  	[smem:$0x3FB5] =	sst s0;
	s0 =	simm.s32 @!p2 $0x0  }
0x16: {  	s3 =	sld [smem:$0x3FDB];
	s0 =	simm.s32 @p2 $0x1  }
0x17: {  	s4 =	simm.s32 $0x1BF5;
	[smem:$0x3FB7] =	sst s0  }
0x18: {  	s0 =	sld [smem:$0x3F9A];
	_ =	swait.ge [sflag:s4], $0x0  }
0x19: {  	s7 =	sld [smem:$0x3F9B]  }
0x1a: {  	s8 =	sadd.s32 $0xFFFFE003, lr  }
0x1b: {  	s9 =	sadd.s32 $0xFFFFFEF7, lr;
	s5 =	simm.s32 $0xFFFFFFFF;
	p2 =	slt.u32 s8, $0xFFFFF086  }
0x1c: {  	p1 =	slt.u32 s9, $0xF7A;
	s5 =	simm.s32 @!p2 $0x0  }
0x1d: {  	s5 =	simm.s32 @p1 $0x1;
	p0 =	seq.s32 s7, s2  }
0x1e: {  	s7 =	smul.u32 @!p0 $0xF7A, s2;
	p2 =	seq.s32 @!p0 s5, $0x0  }
0x1f: {  	s9 =	smul.u32 $0xF7A, s1;
	s8 =	simm.s32 @!p0 $0x1BF5;
	p2 =	por !p2, p0  }
0x20: {  	[sflag:s8] =	ssyncset.s32 @!p0 $0xFFFFF086;
	s6 =	sadd.s32 @!p0 s3, s7;
	s7 =	simm.s32 @!p0 $0x108  }
0x21: {  	s3 =	sadd.s32 s3, s9;
	s6 =	sadd.s32 @!p0 $0x88, s6;
	s7 =	simm.s32 @p2 $0x1082  }
0x22: {  	[simem:s7], [sflag:s8] =	dma.local @!p0 [hbm:s6], $0xF7A  }
0x23: {  	s9 =	sor.u32 $0xD0000000, s2;
	s6 =	simm.s32 $0x108;
	_ =	swait.ge @!p0 [sflag:s8], $0x0  }
0x24: {  	s3 =	sadd.s32 $0x88, s3;
	s6 =	simm.s32 @!p1 $0x1082;
	[sflag:s4] =	ssyncset.s32 $0xFFFFF086  }
0x25: {  	[simem:s6], [sflag:s4] =	dma.local [hbm:s3], $0xF7A  }
0x26: {  	[smem:$0x3F9B] =	sst s1;
	(tag) =	ssettag s2;
	_ =	strace s9  }
0x27: {  	s1 =	sld [smem:$0x3FAB]  }
0x28: {  	s2 =	sld [smem:$0x3FAC]  }
0x29: {  	s4 =	sld [smem:$0x3FAE]  }
0x2a: {  	p0 =	seq.s32 s5, $0x0;
	s5 =	sld [smem:$0x3FAF]  }
0x2b: {  	s6 =	sld [smem:$0x3FB0]  }
0x2c: {  	s7 =	sld [smem:$0x3FB1]  }
0x2d: {  	s3 =	simm.s32 $0x108;
	s8 =	sld [smem:$0x3FB2]  }
0x2e: {  	s3 =	simm.s32 @!p0 $0x1082;
	s9 =	sld [smem:$0x3FB3]  }
0x2f: {  	lr =	sadd.s32 s0, s3;
	s0 =	sld [smem:$0x3FAA]  }
0x30: {  	s3 =	sld [smem:$0x3FAD]  }
0x31: {  	[smem:$0x3FB6] =	sst s10  }
0x32: {  	s10 =	sld [smem:$0x3FB4];
	_ =	sdelay $0x3  }
0x33: {  	p0 =	seq.s32 s10, $0x1;
	s10 =	sld [smem:$0x3FB6];
	_ =	sdelay $0x3  }
0x34: {  	[smem:$0x3FB6] =	sst s10  }
0x35: {  	s10 =	sld [smem:$0x3FB5];
	_ =	sdelay $0x3  }
0x36: {  	p1 =	seq.s32 s10, $0x1;
	s10 =	sld [smem:$0x3FB6];
	_ =	sdelay $0x3  }
0x37: {  	[smem:$0x3FB6] =	sst s10  }
0x38: {  	s10 =	sld [smem:$0x3FB7]  }
0x39: {  	_ = 	snop;
	(pc) =	sbr.ind lr, $3  }
0x3a: {  	_ = 	snop  }
0x3b: {  	_ = 	snop  }
0x3c: {  	p2 =	seq.s32 s10, $0x1;
	s10 =	sld [smem:$0x3FB6]  }
0x3d: {  	_ =	shalt  }
0x3e: {  	_ =	shalt  }
0x3f: {  	_ =	shalt  }
0x40: {  	_ =	shalt  }
0x41: {  	_ =	shalt  }
0x42: {  	_ =	shalt  }
0x43: {  	_ =	shalt  }
0x44: {  	_ =	shalt  }
0x45: {  	_ =	shalt  }
0x46: {  	_ =	shalt  }
0x47: {  	_ =	shalt  }
0x48: {  	_ =	shalt  }
0x49: {  	_ =	shalt  }
0x4a: {  	_ =	shalt  }
0x4b: {  	_ =	shalt  }
0x4c: {  	_ =	shalt  }
0x4d: {  	_ =	shalt  }
0x4e: {  	_ =	shalt  }
0x4f: {  	_ =	shalt  }
0x50: {  	_ =	shalt  }
0x51: {  	_ =	shalt  }
0x52: {  	_ =	shalt  }
0x53: {  	_ =	shalt  }
0x54: {  	_ =	shalt  }
0x55: {  	_ =	shalt  }
0x56: {  	_ =	shalt  }
0x57: {  	_ =	shalt  }
0x58: {  	_ =	shalt  }
0x59: {  	_ =	shalt  }
0x5a: {  	_ =	shalt  }
0x5b: {  	_ =	shalt  }
0x5c: {  	_ =	shalt  }
0x5d: {  	_ =	shalt  }
0x5e: {  	_ =	shalt  }
0x5f: {  	_ =	shalt  }
0x60: {  	_ =	shalt  }
0x61: {  	_ =	shalt  }
0x62: {  	_ =	shalt  }
0x63: {  	_ =	shalt  }
0x64: {  	_ =	shalt  }
0x65: {  	_ =	shalt  }
0x66: {  	_ =	shalt  }
0x67: {  	_ =	shalt  }
0x68: {  	_ =	shalt  }
0x69: {  	_ =	shalt  }
0x6a: {  	_ =	shalt  }
0x6b: {  	_ =	shalt  }
0x6c: {  	_ =	shalt  }
0x6d: {  	_ =	shalt  }
0x6e: {  	_ =	shalt  }
0x6f: {  	_ =	shalt  }
0x70: {  	_ =	shalt  }
0x71: {  	_ =	shalt  }
0x72: {  	_ =	shalt  }
0x73: {  	_ =	shalt  }
0x74: {  	_ =	shalt  }
0x75: {  	_ =	shalt  }
0x76: {  	_ =	shalt  }
0x77: {  	_ =	shalt  }
0x78: {  	_ =	shalt  }
0x79: {  	_ =	shalt  }
0x7a: {  	_ =	shalt  }
0x7b: {  	_ =	shalt  }
0x7c: {  	_ =	shalt  }
0x7d: {  	_ =	shalt  }
0x7e: {  	_ =	shalt  }
0x7f: {  	_ =	shalt  }
0x80: {  	_ =	shalt  }
0x81: {  	_ =	shalt  }
0x82: {  	_ =	shalt  }
0x83: {  	_ =	shalt  }
0x84: {  	_ =	shalt  }
0x85: {  	_ =	shalt  }
0x86: {  	_ =	shalt  }
0x87: {  	_ =	shalt  }
.Lfunc_end0:
.L_simem_size_0:
called_computation_lowered:
.L_overlay_start_0:
0x88: {  	s2 =	sld [smem:$0x3FD9]  }
0x89: {  	s3 =	sld [smem:$0x3FFE];
	_ =	sdelay $0x1  }
0x8a: {  	s1 =	srdreg.scid  }
0x8b: {  	s0 =	sand.u32 $0x1, s1  }
0x8c: {  	s14 =	sshll.u32 s0, $0xA;
	s2 =	sadd.s32 s3, s2  }
0x8d: {  	s2 =	sadd.s32 s2, s14  }
0x8e: {  	[smem:$0x3FC2] =	sst s2  }
0x8f: {  	_ = 	snop  }
0x90: {  	s2 =	sld [smem:$0x3FD0];
	_ =	sdelay $0x2  }
0x91: {  	s15 =	simm.s32 $0xA;
	s4 =	simm.s32 $0x10  }
0x92: {  	[smem:s4], [sflag:s15] =	dma.local [hbm:s2], $0x1  }
0x93: {  	_ =	swait.eq [sflag:s15], $0x1  }
0x94: {  	[sflag:s15] =	ssyncset.done $0x0  }
0x95: {  	[sflag:s15] =	ssyncadd.s32 $0xFFFFFFFF  }
0x96: {  	s16 =	sld [smem:$0x11];
	(tm) =	ssettm $0x1  }
0x97: {  	s17 =	sld [smem:$0x3FFB];
	_ =	sdelay $0x3  }
0x98: {  	_ =	strace s17  }
0x99: {  	s3 =	sld [smem:$0x3FFC];
	_ =	sdelay $0x3  }
0x9a: {  	_ =	strace s3  }
0x9b: {  	s3 =	sld [smem:$0x3FFD];
	_ =	sdelay $0x3  }
0x9c: {  	_ =	strace s3  }
0x9d: {  	_ =	strace $0x8FFFFFFF  }
0x9e: {  	s18 =	sld [smem:$0x3FDB];
	_ =	sdelay $0x1  }
0x9f: {  	s19 =	simm.s32 $_scs_section_size  }
0xa0: {  	s5 =	simm.s32 $_size__tile_overlayer_lowered;
	s6 =	simm.s32 $_tile_overlayer_lowered  }
0xa1: {  	s22 =	simm.s32 $0x1BFF;
	s21 =	sshll.u32 s6, $0x1;
	s3 =	sadd.s32 s19, s18  }
0xa2: {  	s7 =	simm.s32 $0x0;
	s20 =	sshll.u32 s5, $0x1;
	s5 =	sadd.s32 s21, s3  }
0xa3: {  	[timem:s7], [sflag:s22] =	dma.local [hbm:s5], s20  }
0xa4: {  	_ =	swait.ge [sflag:s22], s20  }
0xa5: {  	s4 =	ssub.s32 $0x0, s20;
	[sflag:s22] =	ssyncset.done $0x0  }
0xa6: {  	[sflag:s22] =	ssyncadd.s32 s4;
	_ =	sdelay $0x1  }
0xa7: {  	s23 =	simm.s32 $0x1B8B  }
0xa8: {  	_ =	swait.ge [sflag:s23], $0x1  }
0xa9: {  	[sflag:s23] =	ssyncset.done $0x0  }
0xaa: {  	s25 =	simm.s32 $0x1B8E;
	s24 =	sld [smem:$0x3FFE];
	[sflag:s23] =	ssyncadd.s32 $0xFFFFFFFF  }
0xab: {  	s26 =	simm.s32 $execute0_lowered;
	[smem:$0x3FD2] =	sst s25  }
0xac: {  	s5 =	sshll.u32 s26, $0x1;
	_ =	strace $0x80000046;
	[dreg:$0x1] =	wrdreg $0xFFFFFFFF  }
0xad: {  	s28 =	simm.s32 $_size_execute0_lowered;
	s3 =	sadd.s32 s3, s5;
	[dreg:$0x0] =	wrdreg $0x0  }
0xae: {  	s5 =	sshll.u32 s28, $0x1;
	[dreg:$0x2] =	wrdreg s3  }
0xaf: {  	[dreg:$0x3] =	wrdreg s5  }
0xb0: {  	[dreg:$0x4] =	wrdreg $0xC0  }
0xb1: {  	_ =	task [dreg:s7], $0x5FFFF  }
0xb2: {  	[dreg:$0x1] =	wrdreg $0xFFFFFFFF  }
0xb3: {  	[dreg:$0x0] =	wrdreg $0x60  }
0xb4: {  	[dreg:$0x2] =	wrdreg s24  }
0xb5: {  	[dreg:$0x3] =	wrdreg s16  }
0xb6: {  	[dreg:$0x4] =	wrdreg $0x9  }
0xb7: {  	_ =	task.clear_ibuf [dreg:s7], $0x5FFFF;
	_ =	strace $0x90000046  }
0xb8: {  	s29 =	simm.s32 $0x9;
	_ =	strace $0x80000048  }
0xb9: {  	_ =	swait.ge [sflag:s29], $0x1  }
0xba: {  	[sflag:s29] =	ssyncadd.s32 $0xFFFFFFFF  }
0xbb: {  	_ =	strace $0x90000048  }
0xbc: {  	_ =	sfence  }
0xbd: {  	s30 =	sld [smem:$0x0];
	_ =	sdelay $0x2  }
0xbe: {  	s31 =	sshll.u32 s1, $0xD;
	s1 =	sshrl.u32 s1, $0x2  }
0xbf: {  	s3 =	sand.u32 $0x4000, s31;
	s1 =	sadd.s32 s1, s30  }
0xc0: {  	s0 =	sor.u32 s3, s0;
	s1 =	sshll.u32 s1, $0x11  }
0xc1: {  	s0 =	sor.u32 s1, s0  }
0xc2: {  	s0 =	sadd.s32 $0x8F2B, s0  }
0xc3: {  	[sflag:s0] =	ssyncadd.remote.s32 $0x1  }
0xc4: {  	_ =	sfence.sel $0xFFFF  }
0xc5: {  	[dreg:$0x0] =	wrdreg $0xFFFFFFFF;
	(pc) =	sbr.abs _section_cstart, $3  }
0xc6: {  	[dreg:$0x1] =	wrdreg $0xFFFFFFFF  }
0xc7: {  	_ =	task.clear_ibuf [dreg:s7], $0x2FFFF;
	_ =	strace $0x9FFFFFFF  }
0xc8: {  	(tm) =	ssettm $0x7FFFFFFF  }
0xc9: {  	_ =	shalt  }
tec
execute0_lowered:
.L_overlay_start_1:
0x0: {  	(tag) =	ssettag $0x1  }
0x1: {  	s1 =	srdreg.scid;
	s0 =	stileid.u32  }
0x2: {  	s5 =	rddreg [dreg:$0x0];
	s4 =	sand.u32 $0x1, s1;
	s30 =	sshll.u32 s0, $0x1  }
0x3: {  	s2 =	rddreg [dreg:$0x1];
	s3 =	simm.s32 $0x0;
	s1 =	sor.u32 s4, s30  }
0x4: {  	s8 =	simm.s32 $0x1;
	[smem:$0x7FF] =	sst s3;
	s6 =	smul.u32 $0x2800, s1  }
0x5: {  	s9 =	simm.s32 $0x0;
	s4 =	ssub.s32 $0x2, s4;
	s1 =	rddreg [dreg:$0x2]  }
0x6: {  	s7 =	sshrl.u32 s4, $0x1;
	_ =	strace $0x80000047;
	s6 =	sshrl.u32 s6, $0x3  }
0x7: {  	s31 =	ssub.s32 s4, s7;
	s7 =	simm.s32 $0x2800;
	s5 =	sadd.s32 s6, s5  }
0x8: {  	v0 =	vimm.f32 $1.000000000e+00;
	s6 =	smax.u32 s31, $0x1;
	s4 =	sadd.s32 $0xBC00, s5;
	s5 =	sadd.s32 $0x15C00, s5  }
.LBB2_1:
0x9: {  	[tilespmem:s7], [sflag:$0x1] =	stream.linear.gather [hbm4b:s2+s3], $0x2800, $0x38;
	[tilespmem:$0x5000] =	vst v63  }
0xa: {  	_ =	swait.ge [sflag:s8], $0x2800  }
0xb: {  	[sflag:s8] =	ssyncset.done $0x0  }
0xc: {  	[sflag:s8] =	ssyncadd.s32 $0xFFFFD800  }
0xd: {  	[tilespmem:s3], [sflag:$0x1] =	stream.linear.gather [hbm4b:s4+s3], $0x2800, $0x38;
	[tilespmem:$0x5000] =	vst v63  }
0xe: {  	_ =	swait.ge [sflag:s8], $0x2800  }
0xf: {  	[sflag:s8] =	ssyncset.done $0x0  }
0x10: {  	s10 =	simm.s32 $0x0;
	[sflag:s8] =	ssyncadd.s32 $0xFFFFD800  }
.LBB2_2:
0x11: {  	s11 =	sshra.s32 s10, $0x2  }
0x12: {  	v1 =	vld [tilespmem:s11+$0x0];
	_ =	sdelay $0x7  }
0x13: {  	[tilespmem:v1+s7+$0x0] =	vst.idx.add.f32.msk $0xffff, v0  }
0x14: {  	v1 =	vld [tilespmem:s11+$0x10];
	_ =	sdelay $0x7  }
0x15: {  	[tilespmem:v1+s7+$0x0] =	vst.idx.add.f32.msk $0xffff, v0  }
0x16: {  	v1 =	vld [tilespmem:s11+$0x20];
	_ =	sdelay $0x7  }
0x17: {  	[tilespmem:v1+s7+$0x0] =	vst.idx.add.f32.msk $0xffff, v0  }
0x18: {  	v1 =	vld [tilespmem:s11+$0x30];
	_ =	sdelay $0x7  }
0x19: {  	[tilespmem:v1+s7+$0x0] =	vst.idx.add.f32.msk $0xffff, v0  }
0x1a: {  	v1 =	vld [tilespmem:s11+$0x40];
	_ =	sdelay $0x7  }
0x1b: {  	[tilespmem:v1+s7+$0x0] =	vst.idx.add.f32.msk $0xffff, v0  }
0x1c: {  	v1 =	vld [tilespmem:s11+$0x50];
	_ =	sdelay $0x7  }
0x1d: {  	[tilespmem:v1+s7+$0x0] =	vst.idx.add.f32.msk $0xffff, v0  }
0x1e: {  	v1 =	vld [tilespmem:s11+$0x60];
	_ =	sdelay $0x7  }
0x1f: {  	[tilespmem:v1+s7+$0x0] =	vst.idx.add.f32.msk $0xffff, v0  }
0x20: {  	v1 =	vld [tilespmem:s11+$0x70];
	_ =	sdelay $0x2  }
0x21: {  	p0 =	sne.s32 s10, $0x9E00  }
.Ltmp0:
0x22: {  	_ = 	snop;
	(pc) =	sbr.rel @p0 .LBB2_2-.Ltmp0, $2  }
0x23: {  	_ =	sdelay $0x2  }
0x24: {  	s10 =	sadd.s32 $0x200, s10;
	[tilespmem:v1+s7+$0x0] =	vst.idx.add.f32.msk $0xffff, v0  }
0x25: {  	s9 =	sadd.s32 $0x1, s9  }
0x26: {  	p0 =	sne.s32 s9, s6  }
.Ltmp1:
0x27: {  	_ = 	snop;
	(pc) =	sbr.rel @p0 .LBB2_1-.Ltmp1, $4  }
0x28: {  	[hbm4b:s5+s3] =	stream.linear.scatter [tilespmem:s7], [sflag:$0x1], $0x2800, $0x38;
	[tilespmem:$0x5000] =	vst v63  }
0x29: {  	_ =	swait.ge [sflag:s8], $0x2800  }
0x2a: {  	[sflag:s8] =	ssyncset.done $0x0  }
0x2b: {  	[sflag:s8] =	ssyncadd.s32 $0xFFFFD800  }
0x2c: {  	_ =	sfence.sel $0x180000  }
0x2d: {  	[bflag:$0x0] =	sbarrier.arrive $0xFFFF  }
0x2e: {  	p0 =	sne.s32 s0, $0x0;
	_ =	strace $0x90000047  }
0x2f: {  	s0 =	sadd.s32 @!p0 $0x100000, s1;
	[bflag:$0x2] =	sbarrier.arrive $0xFFFF  }
0x30: {  	[sflag:s0] =	ssyncadd.tile.s32 @!p0 $0x1;
	_ =	shalt  }
.Lfunc_end2:
_tile_overlayer_lowered:
.L_overlay_start_2:
0x31: {  	(tag) =	ssettag $0x2  }
0x32: {  	s0 =	rddreg [dreg:$0x0];
	s2 =	stileid.u32  }
0x33: {  	s1 =	rddreg [dreg:$0x1];
	p0 =	sne.s32 s2, $0x0  }
0x34: {  	s3 =	rddreg [dreg:$0x2];
	[bflag:$0x3] =	sbarrier.arrive $0xFFFF;
	s2 =	simm.s32 @!p0 $0x1C01  }
0x35: {  	[timem:s3], [sflag:s2] =	dma.local @!p0 [hbm:s0], s1  }
0x36: {  	s0 =	simm.s32 @!p0 $0x1  }
0x37: {  	_ =	swait.ge @!p0 [sflag:s0], s1  }
0x38: {  	s1 =	ssub.s32 @!p0 $0x0, s1;
	[sflag:s0] =	ssyncset.done @!p0 $0x0  }
0x39: {  	[sflag:s0] =	ssyncadd.s32 @!p0 s1  }
0x3a: {  	[bflag:$0x3] =	sbarrier.arrive $0xFFFF  }
0x3b: {  	_ =	shalt  }

// kernel: kernel.9.cloned.1.call-start
scs
__scs_entry_jumppad:
0x0: {  	(pc) =	sbr.rel $0x88, $3  }
0x1: {  	(tag) =	ssettag $0x0;
	lr =	simm.s32 $0x1  }
0x2: {  	[smem:$0x3F9B] =	sst lr;
	_ =	strace $0xD0000000  }
0x3: {  	_ = 	snop  }
0x4: {  	_ = 	snop  }
0x5: {  	_ = 	snop  }
0x6: {  	_ = 	snop  }
0x7: {  	_ = 	snop  }
__scs_overlays_trampoline_lowered:
0x8: {  	[smem:$0x3FAA] =	sst s0  }
0x9: {  	[smem:$0x3FAB] =	sst s1  }
0xa: {  	[smem:$0x3FAC] =	sst s2  }
0xb: {  	[smem:$0x3FAD] =	sst s3  }
0xc: {  	[smem:$0x3FAE] =	sst s4  }
0xd: {  	[smem:$0x3FAF] =	sst s5  }
0xe: {  	[smem:$0x3FB0] =	sst s6  }
0xf: {  	[smem:$0x3FB1] =	sst s7  }
0x10: {  	[smem:$0x3FB2] =	sst s8  }
0x11: {  	[smem:$0x3FB3] =	sst s9;
	s0 =	simm.s32 @!p0 $0x0  }
0x12: {  	s1 =	sld [smem:$0x3F99];
	s0 =	simm.s32 @p0 $0x1  }
0x13: {  	[smem:$0x3FB4] =	sst s0;
	s0 =	simm.s32 @!p1 $0x0  }
0x14: {  	s2 =	sld [smem:$0x3F98];
	s0 =	simm.s32 @p1 $0x1  }
0x15: {  	[smem:$0x3FB5] =	sst s0;
	s0 =	simm.s32 @!p2 $0x0  }
0x16: {  	s3 =	sld [smem:$0x3FDB];
	s0 =	simm.s32 @p2 $0x1  }
0x17: {  	s4 =	simm.s32 $0x1BF5;
	[smem:$0x3FB7] =	sst s0  }
0x18: {  	s0 =	sld [smem:$0x3F9A];
	_ =	swait.ge [sflag:s4], $0x0  }
0x19: {  	s7 =	sld [smem:$0x3F9B]  }
0x1a: {  	s8 =	sadd.s32 $0xFFFFE003, lr  }
0x1b: {  	s9 =	sadd.s32 $0xFFFFFEF7, lr;
	s5 =	simm.s32 $0xFFFFFFFF;
	p2 =	slt.u32 s8, $0xFFFFF086  }
0x1c: {  	p1 =	slt.u32 s9, $0xF7A;
	s5 =	simm.s32 @!p2 $0x0  }
0x1d: {  	s5 =	simm.s32 @p1 $0x1;
	p0 =	seq.s32 s7, s2  }
0x1e: {  	s7 =	smul.u32 @!p0 $0xF7A, s2;
	p2 =	seq.s32 @!p0 s5, $0x0  }
0x1f: {  	s9 =	smul.u32 $0xF7A, s1;
	s8 =	simm.s32 @!p0 $0x1BF5;
	p2 =	por !p2, p0  }
0x20: {  	[sflag:s8] =	ssyncset.s32 @!p0 $0xFFFFF086;
	s6 =	sadd.s32 @!p0 s3, s7;
	s7 =	simm.s32 @!p0 $0x108  }
0x21: {  	s3 =	sadd.s32 s3, s9;
	s6 =	sadd.s32 @!p0 $0x88, s6;
	s7 =	simm.s32 @p2 $0x1082  }
0x22: {  	[simem:s7], [sflag:s8] =	dma.local @!p0 [hbm:s6], $0xF7A  }
0x23: {  	s9 =	sor.u32 $0xD0000000, s2;
	s6 =	simm.s32 $0x108;
	_ =	swait.ge @!p0 [sflag:s8], $0x0  }
0x24: {  	s3 =	sadd.s32 $0x88, s3;
	s6 =	simm.s32 @!p1 $0x1082;
	[sflag:s4] =	ssyncset.s32 $0xFFFFF086  }
0x25: {  	[simem:s6], [sflag:s4] =	dma.local [hbm:s3], $0xF7A  }
0x26: {  	[smem:$0x3F9B] =	sst s1;
	(tag) =	ssettag s2;
	_ =	strace s9  }
0x27: {  	s1 =	sld [smem:$0x3FAB]  }
0x28: {  	s2 =	sld [smem:$0x3FAC]  }
0x29: {  	s4 =	sld [smem:$0x3FAE]  }
0x2a: {  	p0 =	seq.s32 s5, $0x0;
	s5 =	sld [smem:$0x3FAF]  }
0x2b: {  	s6 =	sld [smem:$0x3FB0]  }
0x2c: {  	s7 =	sld [smem:$0x3FB1]  }
0x2d: {  	s3 =	simm.s32 $0x108;
	s8 =	sld [smem:$0x3FB2]  }
0x2e: {  	s3 =	simm.s32 @!p0 $0x1082;
	s9 =	sld [smem:$0x3FB3]  }
0x2f: {  	lr =	sadd.s32 s0, s3;
	s0 =	sld [smem:$0x3FAA]  }
0x30: {  	s3 =	sld [smem:$0x3FAD]  }
0x31: {  	[smem:$0x3FB6] =	sst s10  }
0x32: {  	s10 =	sld [smem:$0x3FB4];
	_ =	sdelay $0x3  }
0x33: {  	p0 =	seq.s32 s10, $0x1;
	s10 =	sld [smem:$0x3FB6];
	_ =	sdelay $0x3  }
0x34: {  	[smem:$0x3FB6] =	sst s10  }
0x35: {  	s10 =	sld [smem:$0x3FB5];
	_ =	sdelay $0x3  }
0x36: {  	p1 =	seq.s32 s10, $0x1;
	s10 =	sld [smem:$0x3FB6];
	_ =	sdelay $0x3  }
0x37: {  	[smem:$0x3FB6] =	sst s10  }
0x38: {  	s10 =	sld [smem:$0x3FB7]  }
0x39: {  	_ = 	snop;
	(pc) =	sbr.ind lr, $3  }
0x3a: {  	_ = 	snop  }
0x3b: {  	_ = 	snop  }
0x3c: {  	p2 =	seq.s32 s10, $0x1;
	s10 =	sld [smem:$0x3FB6]  }
0x3d: {  	_ =	shalt  }
0x3e: {  	_ =	shalt  }
0x3f: {  	_ =	shalt  }
0x40: {  	_ =	shalt  }
0x41: {  	_ =	shalt  }
0x42: {  	_ =	shalt  }
0x43: {  	_ =	shalt  }
0x44: {  	_ =	shalt  }
0x45: {  	_ =	shalt  }
0x46: {  	_ =	shalt  }
0x47: {  	_ =	shalt  }
0x48: {  	_ =	shalt  }
0x49: {  	_ =	shalt  }
0x4a: {  	_ =	shalt  }
0x4b: {  	_ =	shalt  }
0x4c: {  	_ =	shalt  }
0x4d: {  	_ =	shalt  }
0x4e: {  	_ =	shalt  }
0x4f: {  	_ =	shalt  }
0x50: {  	_ =	shalt  }
0x51: {  	_ =	shalt  }
0x52: {  	_ =	shalt  }
0x53: {  	_ =	shalt  }
0x54: {  	_ =	shalt  }
0x55: {  	_ =	shalt  }
0x56: {  	_ =	shalt  }
0x57: {  	_ =	shalt  }
0x58: {  	_ =	shalt  }
0x59: {  	_ =	shalt  }
0x5a: {  	_ =	shalt  }
0x5b: {  	_ =	shalt  }
0x5c: {  	_ =	shalt  }
0x5d: {  	_ =	shalt  }
0x5e: {  	_ =	shalt  }
0x5f: {  	_ =	shalt  }
0x60: {  	_ =	shalt  }
0x61: {  	_ =	shalt  }
0x62: {  	_ =	shalt  }
0x63: {  	_ =	shalt  }
0x64: {  	_ =	shalt  }
0x65: {  	_ =	shalt  }
0x66: {  	_ =	shalt  }
0x67: {  	_ =	shalt  }
0x68: {  	_ =	shalt  }
0x69: {  	_ =	shalt  }
0x6a: {  	_ =	shalt  }
0x6b: {  	_ =	shalt  }
0x6c: {  	_ =	shalt  }
0x6d: {  	_ =	shalt  }
0x6e: {  	_ =	shalt  }
0x6f: {  	_ =	shalt  }
0x70: {  	_ =	shalt  }
0x71: {  	_ =	shalt  }
0x72: {  	_ =	shalt  }
0x73: {  	_ =	shalt  }
0x74: {  	_ =	shalt  }
0x75: {  	_ =	shalt  }
0x76: {  	_ =	shalt  }
0x77: {  	_ =	shalt  }
0x78: {  	_ =	shalt  }
0x79: {  	_ =	shalt  }
0x7a: {  	_ =	shalt  }
0x7b: {  	_ =	shalt  }
0x7c: {  	_ =	shalt  }
0x7d: {  	_ =	shalt  }
0x7e: {  	_ =	shalt  }
0x7f: {  	_ =	shalt  }
0x80: {  	_ =	shalt  }
0x81: {  	_ =	shalt  }
0x82: {  	_ =	shalt  }
0x83: {  	_ =	shalt  }
0x84: {  	_ =	shalt  }
0x85: {  	_ =	shalt  }
0x86: {  	_ =	shalt  }
0x87: {  	_ =	shalt  }
.Lfunc_end0:
.L_simem_size_0:
called_computation.1_lowered:
.L_overlay_start_0:
0x88: {  	s2 =	sld [smem:$0x3FD9]  }
0x89: {  	s3 =	sld [smem:$0x3FFE];
	_ =	sdelay $0x1  }
0x8a: {  	s1 =	srdreg.scid  }
0x8b: {  	s0 =	sand.u32 $0x1, s1  }
0x8c: {  	s16 =	sshll.u32 s0, $0xA;
	s2 =	sadd.s32 s3, s2  }
0x8d: {  	s2 =	sadd.s32 s2, s16  }
0x8e: {  	[smem:$0x3FC2] =	sst s2  }
0x8f: {  	_ = 	snop  }
0x90: {  	(tm) =	ssettm $0x1  }
0x91: {  	s17 =	sld [smem:$0x3FFB];
	_ =	sdelay $0x3  }
0x92: {  	_ =	strace s17  }
0x93: {  	s2 =	sld [smem:$0x3FFC];
	_ =	sdelay $0x3  }
0x94: {  	_ =	strace s2  }
0x95: {  	s2 =	sld [smem:$0x3FFD];
	_ =	sdelay $0x3  }
0x96: {  	_ =	strace s2  }
0x97: {  	_ =	strace $0x8FFFFFFF  }
0x98: {  	s18 =	sld [smem:$0x3FDB];
	_ =	sdelay $0x1  }
0x99: {  	s19 =	simm.s32 $_scs_section_size  }
0x9a: {  	s4 =	simm.s32 $_size__tile_overlayer_lowered;
	s5 =	simm.s32 $_tile_overlayer_lowered  }
0x9b: {  	s22 =	simm.s32 $0x1BFF;
	s21 =	sshll.u32 s5, $0x1;
	s2 =	sadd.s32 s19, s18  }
0x9c: {  	s6 =	simm.s32 $0x0;
	s20 =	sshll.u32 s4, $0x1;
	s4 =	sadd.s32 s21, s2  }
0x9d: {  	[timem:s6], [sflag:s22] =	dma.local [hbm:s4], s20  }
0x9e: {  	_ =	swait.ge [sflag:s22], s20  }
0x9f: {  	s3 =	ssub.s32 $0x0, s20;
	[sflag:s22] =	ssyncset.done $0x0  }
0xa0: {  	[sflag:s22] =	ssyncadd.s32 s3;
	_ =	sdelay $0x1  }
0xa1: {  	s23 =	simm.s32 $0x1B8B  }
0xa2: {  	_ =	swait.ge [sflag:s23], $0x1  }
0xa3: {  	[sflag:s23] =	ssyncset.done $0x0  }
0xa4: {  	s25 =	simm.s32 $0x1B8E;
	s24 =	sld [smem:$0x3FFE];
	[sflag:s23] =	ssyncadd.s32 $0xFFFFFFFF  }
0xa5: {  	s26 =	simm.s32 $execute0_lowered;
	[smem:$0x3FD2] =	sst s25  }
0xa6: {  	s4 =	sshll.u32 s26, $0x1;
	_ =	strace $0x80000049;
	[dreg:$0x1] =	wrdreg $0xFFFFFFFF  }
0xa7: {  	s28 =	simm.s32 $_size_execute0_lowered;
	s2 =	sadd.s32 s2, s4;
	[dreg:$0x0] =	wrdreg $0x0  }
0xa8: {  	s4 =	sshll.u32 s28, $0x1;
	[dreg:$0x2] =	wrdreg s2  }
0xa9: {  	[dreg:$0x3] =	wrdreg s4  }
0xaa: {  	[dreg:$0x4] =	wrdreg $0xC0  }
0xab: {  	_ =	task [dreg:s6], $0x5FFFF  }
0xac: {  	[dreg:$0x1] =	wrdreg $0xFFFFFFFF  }
0xad: {  	[dreg:$0x0] =	wrdreg $0x60  }
0xae: {  	[dreg:$0x2] =	wrdreg s24  }
0xaf: {  	[dreg:$0x3] =	wrdreg $0x90000  }
0xb0: {  	[dreg:$0x4] =	wrdreg $0x9  }
0xb1: {  	_ =	task.clear_ibuf [dreg:s6], $0x5FFFF;
	_ =	strace $0x90000049  }
0xb2: {  	s29 =	simm.s32 $0x9;
	_ =	strace $0x8000004B  }
0xb3: {  	_ =	swait.ge [sflag:s29], $0x1  }
0xb4: {  	[sflag:s29] =	ssyncadd.s32 $0xFFFFFFFF  }
0xb5: {  	_ =	strace $0x9000004B  }
0xb6: {  	_ =	sfence  }
0xb7: {  	s30 =	sld [smem:$0x0];
	_ =	sdelay $0x2  }
0xb8: {  	s31 =	sshll.u32 s1, $0xD;
	s1 =	sshrl.u32 s1, $0x2  }
0xb9: {  	s3 =	sand.u32 $0x4000, s31;
	s1 =	sadd.s32 s1, s30  }
0xba: {  	s0 =	sor.u32 s3, s0;
	s1 =	sshll.u32 s1, $0x11  }
0xbb: {  	s0 =	sor.u32 s1, s0  }
0xbc: {  	s0 =	sadd.s32 $0x8F2B, s0  }
0xbd: {  	[sflag:s0] =	ssyncadd.remote.s32 $0x1  }
0xbe: {  	_ =	sfence.sel $0xFFFF  }
0xbf: {  	[dreg:$0x0] =	wrdreg $0xFFFFFFFF;
	(pc) =	sbr.abs _section_cstart, $3  }
0xc0: {  	[dreg:$0x1] =	wrdreg $0xFFFFFFFF  }
0xc1: {  	_ =	task.clear_ibuf [dreg:s6], $0x2FFFF;
	_ =	strace $0x9FFFFFFF  }
0xc2: {  	(tm) =	ssettm $0x7FFFFFFF  }
0xc3: {  	_ =	shalt  }
tec
execute0_lowered:
.L_overlay_start_1:
0x0: {  	(tag) =	ssettag $0x1  }
0x1: {  	s0 =	srdreg.scid  }
0x2: {  	s12 =	stileid.u32;
	s5 =	rddreg [dreg:$0x0]  }
0x3: {  	s2 =	rddreg [dreg:$0x1];
	s3 =	simm.s32 $0x0;
	s13 =	simm.s32 $0x2800  }
0x4: {  	s14 =	simm.s32 $0x80;
	s15 =	simm.s32 $0x5000;
	s16 =	simm.s32 $0x6000  }
0x5: {  	s18 =	simm.s32 $0x7000;
	s19 =	simm.s32 $0x1;
	s21 =	simm.s32 $0x8000  }
0x6: {  	s22 =	simm.s32 $0x2;
	s24 =	simm.s32 $0x5;
	s25 =	simm.s32 $0x3  }
0x7: {  	s28 =	simm.s32 $0x4;
	s29 =	simm.s32 $0x7;
	s30 =	simm.s32 $0x8  }
0x8: {  	s31 =	simm.s32 $0x4F00;
	s0 =	sand.u32 $0x1, s0;
	s1 =	sshll.u32 s12, $0x1  }
0x9: {  	s6 =	smul.u32 $0x5000, s12;
	[smem:$0x7FF] =	sst s3;
	s4 =	sadd.s32 $0x15C00, s5  }
0xa: {  	s26 =	sshll.u32 s12, $0x6;
	s12 =	simm.s32 $0x9;
	s1 =	sor.u32 s0, s1  }
0xb: {  	s7 =	smul.u32 $0x50000, s0;
	_ =	strace $0x8000004A;
	s0 =	ssub.s32 $0x2, s0  }
0xc: {  	s1 =	smul.u32 $0x2800, s1;
	s8 =	sshrl.u32 s6, $0x3;
	s9 =	sshrl.u32 s0, $0x1  }
0xd: {  	s11 =	sadd.s32 s6, s2;
	s7 =	sadd.s32 s6, s7;
	s8 =	sadd.s32 s8, s5  }
0xe: {  	s0 =	ssub.s32 s0, s9;
	s6 =	sor.u32 $0x1C09, s26;
	s11 =	sshrl.u32 s11, $0x3  }
0xf: {  	s26 =	simm.s32 $0x6;
	s1 =	sshrl.u32 s1, $0x3;
	s7 =	sshrl.u32 s7, $0x3  }
0x10: {  	s1 =	sadd.s32 s1, s5;
	s10 =	sadd.s32 s7, s5;
	s5 =	sadd.s32 $0x1FA00, s8  }
0x11: {  	s7 =	sadd.s32 $0x1C00, s1;
	s8 =	sadd.s32 $0xBC00, s1;
	s9 =	sadd.s32 $0x29A00, s10  }
0x12: {  	s10 =	smax.u32 s0, $0x1;
	s1 =	simm.s32 $0x4F80;
	s0 =	simm.s32 $0x0  }
.LBB2_1:
0x13: {  	[spmem:s11], [sflag:s6] =	dma.local [hbm:s5], $0xA00  }
0x14: {  	_ =	swait.ge [sflag:s12], $0xA00  }
0x15: {  	[sflag:s12] =	ssyncset.done $0x0  }
0x16: {  	[sflag:s12] =	ssyncadd.s32 $0xFFFFF600  }
0x17: {  	[tilespmem:s3], [sflag:$0x9] =	stream.linear.gather [hbm4b:s7+s3], $0x2800, $0x38;
	[tilespmem:$0xE000] =	vst v63  }
0x18: {  	_ =	swait.ge [sflag:s12], $0x2800  }
0x19: {  	[sflag:s12] =	ssyncset.done $0x0  }
0x1a: {  	[sflag:s12] =	ssyncadd.s32 $0xFFFFD800  }
0x1b: {  	[tilespmem:s13], [sflag:$0x9] =	stream.linear.gather [hbm4b:s8+s3], $0x2800, $0x38;
	[tilespmem:$0xE000] =	vst v63  }
0x1c: {  	_ =	swait.ge [sflag:s12], $0x2800  }
0x1d: {  	[sflag:s12] =	ssyncset.done $0x0  }
0x1e: {  	[sflag:s12] =	ssyncadd.s32 $0xFFFFD800  }
0x1f: {  	[bflag:$0x0] =	sbarrier.arrive $0xFFFF  }
0x20: {  	[tilespmem:s15], [sflag:$0x1] =	stream.indirect.gather [hbm4b:s4+s14], $0x20, s3, s14, $0xb8;
	[tilespmem:$0xE000] =	vst v63  }
0x21: {  	_ = 	snop  }
0x22: {  	[tilespmem:s16], [sflag:$0x2] =	stream.indirect.gather [hbm4b:s4+s14], $0x20, s14, s14, $0xb8;
	[tilespmem:$0xE000] =	vst v63  }
0x23: {  	s17 =	simm.s32 $0x100  }
0x24: {  	[tilespmem:s18], [sflag:$0x3] =	stream.indirect.gather [hbm4b:s4+s14], $0x20, s17, s14, $0xb8;
	[tilespmem:$0xE000] =	vst v63  }
0x25: {  	_ =	swait.ge [sflag:s19], $0x1000  }
0x26: {  	[sflag:s19] =	ssyncset.done $0x0  }
0x27: {  	[sflag:s19] =	ssyncadd.s32 $0xFFFFF000  }
0x28: {  	[spmem:s2] =	stream.indirect.scatter.add.f32 [tilespmem:s15], [sflag:$0x5], $0x20, s13, s14, $0xb8;
	[tilespmem:$0xE000] =	vst v63  }
0x29: {  	s23 =	simm.s32 $0x180  }
0x2a: {  	[tilespmem:s21], [sflag:$0x4] =	stream.indirect.gather [hbm4b:s4+s14], $0x20, s23, s14, $0xb8;
	[tilespmem:$0xE000] =	vst v63  }
0x2b: {  	_ =	swait.ge [sflag:s22], $0x1000  }
0x2c: {  	[sflag:s22] =	ssyncset.done $0x0  }
0x2d: {  	s20 =	simm.s32 $0x2880;
	[sflag:s22] =	ssyncadd.s32 $0xFFFFF000  }
0x2e: {  	[spmem:s2] =	stream.indirect.scatter.add.f32 [tilespmem:s16], [sflag:$0x6], $0x20, s20, s14, $0xb8;
	[tilespmem:$0xE000] =	vst v63  }
0x2f: {  	_ =	swait.ge [sflag:s24], $0x1000  }
0x30: {  	[sflag:s24] =	ssyncset.done $0x0  }
0x31: {  	s23 =	simm.s32 $0x200;
	[sflag:s24] =	ssyncadd.s32 $0xFFFFF000  }
0x32: {  	[tilespmem:s15], [sflag:$0x1] =	stream.indirect.gather [hbm4b:s4+s14], $0x20, s23, s14, $0xb8;
	[tilespmem:$0xE000] =	vst v63  }
0x33: {  	_ =	swait.ge [sflag:s25], $0x1000  }
0x34: {  	[sflag:s25] =	ssyncset.done $0x0  }
0x35: {  	s20 =	simm.s32 $0x2900;
	[sflag:s25] =	ssyncadd.s32 $0xFFFFF000  }
0x36: {  	[spmem:s2] =	stream.indirect.scatter.add.f32 [tilespmem:s18], [sflag:$0x7], $0x20, s20, s14, $0xb8;
	[tilespmem:$0xE000] =	vst v63  }
0x37: {  	_ =	swait.ge [sflag:s26], $0x1000  }
0x38: {  	[sflag:s26] =	ssyncset.done $0x0  }
0x39: {  	s23 =	simm.s32 $0x280;
	[sflag:s26] =	ssyncadd.s32 $0xFFFFF000  }
0x3a: {  	[tilespmem:s16], [sflag:$0x2] =	stream.indirect.gather [hbm4b:s4+s14], $0x20, s23, s14, $0xb8;
	[tilespmem:$0xE000] =	vst v63  }
0x3b: {  	_ =	swait.ge [sflag:s28], $0x1000  }
0x3c: {  	[sflag:s28] =	ssyncset.done $0x0  }
0x3d: {  	s20 =	simm.s32 $0x2980;
	[sflag:s28] =	ssyncadd.s32 $0xFFFFF000  }
0x3e: {  	[spmem:s2] =	stream.indirect.scatter.add.f32 [tilespmem:s21], [sflag:$0x8], $0x20, s20, s14, $0xb8;
	[tilespmem:$0xE000] =	vst v63  }
0x3f: {  	_ =	swait.ge [sflag:s29], $0x1000  }
0x40: {  	[sflag:s29] =	ssyncset.done $0x0  }
0x41: {  	s23 =	simm.s32 $0x300;
	[sflag:s29] =	ssyncadd.s32 $0xFFFFF000  }
0x42: {  	[tilespmem:s18], [sflag:$0x3] =	stream.indirect.gather [hbm4b:s4+s14], $0x20, s23, s14, $0xb8;
	[tilespmem:$0xE000] =	vst v63  }
0x43: {  	_ =	swait.ge [sflag:s19], $0x1000  }
0x44: {  	[sflag:s19] =	ssyncset.done $0x0  }
0x45: {  	s20 =	simm.s32 $0x2A00;
	[sflag:s19] =	ssyncadd.s32 $0xFFFFF000  }
0x46: {  	[spmem:s2] =	stream.indirect.scatter.add.f32 [tilespmem:s15], [sflag:$0x5], $0x20, s20, s14, $0xb8;
	[tilespmem:$0xE000] =	vst v63  }
0x47: {  	_ =	swait.ge [sflag:s30], $0x1000  }
0x48: {  	[sflag:s30] =	ssyncset.done $0x0  }
0x49: {  	s23 =	simm.s32 $0x380;
	[sflag:s30] =	ssyncadd.s32 $0xFFFFF000  }
0x4a: {  	[tilespmem:s21], [sflag:$0x4] =	stream.indirect.gather [hbm4b:s4+s14], $0x20, s23, s14, $0xb8;
	[tilespmem:$0xE000] =	vst v63  }
0x4b: {  	_ =	swait.ge [sflag:s22], $0x1000  }
0x4c: {  	[sflag:s22] =	ssyncset.done $0x0  }
0x4d: {  	s17 =	simm.s32 $0x800;
	s20 =	simm.s32 $0x2A80;
	[sflag:s22] =	ssyncadd.s32 $0xFFFFF000  }
.LBB2_2:
0x4e: {  	[spmem:s2] =	stream.indirect.scatter.add.f32 [tilespmem:s16], [sflag:$0x6], $0x20, s20, s14, $0xb8;
	[tilespmem:$0xE000] =	vst v63  }
0x4f: {  	s20 =	smov.u32 s17  }
0x50: {  	p0 =	sne.s32 s17, $0x9000;
	s17 =	sadd.s32 $0x800, s17;
	_ =	swait.ge [sflag:s24], $0x1000  }
0x51: {  	s20 =	sshra.s32 s20, $0x2;
	[sflag:s24] =	ssyncset.done $0x0  }
0x52: {  	s23 =	sadd.s32 $0x200, s20;
	[sflag:s24] =	ssyncadd.s32 $0xFFFFF000  }
0x53: {  	[tilespmem:s15], [sflag:$0x1] =	stream.indirect.gather [hbm4b:s4+s14], $0x20, s23, s14, $0xb8;
	[tilespmem:$0xE000] =	vst v63  }
0x54: {  	_ =	swait.ge [sflag:s25], $0x1000  }
0x55: {  	[sflag:s25] =	ssyncset.done $0x0  }
0x56: {  	s23 =	sadd.s32 $0x2900, s20;
	[sflag:s25] =	ssyncadd.s32 $0xFFFFF000  }
0x57: {  	[spmem:s2] =	stream.indirect.scatter.add.f32 [tilespmem:s18], [sflag:$0x7], $0x20, s23, s14, $0xb8;
	[tilespmem:$0xE000] =	vst v63  }
0x58: {  	_ =	swait.ge [sflag:s26], $0x1000  }
0x59: {  	[sflag:s26] =	ssyncset.done $0x0  }
0x5a: {  	s23 =	sadd.s32 $0x280, s20;
	[sflag:s26] =	ssyncadd.s32 $0xFFFFF000  }
0x5b: {  	[tilespmem:s16], [sflag:$0x2] =	stream.indirect.gather [hbm4b:s4+s14], $0x20, s23, s14, $0xb8;
	[tilespmem:$0xE000] =	vst v63  }
0x5c: {  	_ =	swait.ge [sflag:s28], $0x1000  }
0x5d: {  	[sflag:s28] =	ssyncset.done $0x0  }
0x5e: {  	s23 =	sadd.s32 $0x2980, s20;
	[sflag:s28] =	ssyncadd.s32 $0xFFFFF000  }
0x5f: {  	[spmem:s2] =	stream.indirect.scatter.add.f32 [tilespmem:s21], [sflag:$0x8], $0x20, s23, s14, $0xb8;
	[tilespmem:$0xE000] =	vst v63  }
0x60: {  	_ =	swait.ge [sflag:s29], $0x1000  }
0x61: {  	[sflag:s29] =	ssyncset.done $0x0  }
0x62: {  	s23 =	sadd.s32 $0x300, s20;
	[sflag:s29] =	ssyncadd.s32 $0xFFFFF000  }
0x63: {  	[tilespmem:s18], [sflag:$0x3] =	stream.indirect.gather [hbm4b:s4+s14], $0x20, s23, s14, $0xb8;
	[tilespmem:$0xE000] =	vst v63  }
0x64: {  	_ =	swait.ge [sflag:s19], $0x1000  }
0x65: {  	[sflag:s19] =	ssyncset.done $0x0  }
0x66: {  	s23 =	sadd.s32 $0x2A00, s20;
	[sflag:s19] =	ssyncadd.s32 $0xFFFFF000  }
0x67: {  	[spmem:s2] =	stream.indirect.scatter.add.f32 [tilespmem:s15], [sflag:$0x5], $0x20, s23, s14, $0xb8;
	[tilespmem:$0xE000] =	vst v63  }
0x68: {  	_ =	swait.ge [sflag:s30], $0x1000  }
0x69: {  	[sflag:s30] =	ssyncset.done $0x0  }
.Ltmp0:
0x6a: {  	s23 =	sadd.s32 $0x380, s20;
	[sflag:s30] =	ssyncadd.s32 $0xFFFFF000;
	(pc) =	sbr.rel @p0 .LBB2_2-.Ltmp0, $4  }
0x6b: {  	[tilespmem:s21], [sflag:$0x4] =	stream.indirect.gather [hbm4b:s4+s14], $0x20, s23, s14, $0xb8;
	[tilespmem:$0xE000] =	vst v63  }
0x6c: {  	_ =	swait.ge [sflag:s22], $0x1000  }
0x6d: {  	[sflag:s22] =	ssyncset.done $0x0  }
0x6e: {  	s20 =	sadd.s32 $0x2A80, s20;
	[sflag:s22] =	ssyncadd.s32 $0xFFFFF000  }
0x6f: {  	[spmem:s2] =	stream.indirect.scatter.add.f32 [tilespmem:s16], [sflag:$0x6], $0x20, s20, s14, $0xb8;
	[tilespmem:$0xE000] =	vst v63  }
0x70: {  	_ =	swait.ge [sflag:s24], $0x1000  }
0x71: {  	[sflag:s24] =	ssyncset.done $0x0  }
0x72: {  	[sflag:s24] =	ssyncadd.s32 $0xFFFFF000  }
0x73: {  	_ =	swait.ge [sflag:s25], $0x1000  }
0x74: {  	[sflag:s25] =	ssyncset.done $0x0  }
0x75: {  	[sflag:s25] =	ssyncadd.s32 $0xFFFFF000  }
0x76: {  	[spmem:s2] =	stream.indirect.scatter.add.f32 [tilespmem:s18], [sflag:$0x7], $0x20, s31, s14, $0xb8;
	[tilespmem:$0xE000] =	vst v63  }
0x77: {  	_ =	swait.ge [sflag:s26], $0x1000  }
0x78: {  	[sflag:s26] =	ssyncset.done $0x0  }
0x79: {  	[sflag:s26] =	ssyncadd.s32 $0xFFFFF000  }
0x7a: {  	_ =	swait.ge [sflag:s28], $0x1000  }
0x7b: {  	[sflag:s28] =	ssyncset.done $0x0  }
0x7c: {  	[sflag:s28] =	ssyncadd.s32 $0xFFFFF000  }
0x7d: {  	[spmem:s2] =	stream.indirect.scatter.add.f32 [tilespmem:s21], [sflag:$0x8], $0x20, s1, s14, $0xb8;
	[tilespmem:$0xE000] =	vst v63  }
0x7e: {  	_ =	swait.ge [sflag:s29], $0x1000  }
0x7f: {  	[sflag:s29] =	ssyncset.done $0x0  }
0x80: {  	[sflag:s29] =	ssyncadd.s32 $0xFFFFF000  }
0x81: {  	_ =	swait.ge [sflag:s30], $0x1000  }
0x82: {  	s0 =	sadd.s32 $0x1, s0;
	[sflag:s30] =	ssyncset.done $0x0  }
0x83: {  	p0 =	sne.s32 s0, s10;
	[sflag:s30] =	ssyncadd.s32 $0xFFFFF000  }
.Ltmp1:
0x84: {  	[bflag:$0x0] =	sbarrier.arrive $0xFFFF;
	(pc) =	sbr.rel @p0 .LBB2_1-.Ltmp1, $4  }
0x85: {  	[hbm:s9], [sflag:s6] =	dma.local [spmem:s11], $0xA00  }
0x86: {  	_ =	swait.ge [sflag:s12], $0xA00  }
0x87: {  	[sflag:s12] =	ssyncset.done $0x0  }
0x88: {  	[sflag:s12] =	ssyncadd.s32 $0xFFFFF600  }
0x89: {  	_ =	sfence.sel $0x180000  }
0x8a: {  	[bflag:$0x0] =	sbarrier.arrive $0xFFFF  }
0x8b: {  	_ =	strace $0x9000004A  }
0x8c: {  	s0 =	stileid.u32;
	[bflag:$0x2] =	sbarrier.arrive $0xFFFF  }
0x8d: {  	p0 =	sne.s32 s0, $0x0;
	s0 =	rddreg [dreg:$0x2]  }
0x8e: {  	s0 =	sadd.s32 @!p0 $0x100000, s0  }
0x8f: {  	[sflag:s0] =	ssyncadd.tile.s32 @!p0 $0x1;
	_ =	shalt  }
.Lfunc_end2:
_tile_overlayer_lowered:
.L_overlay_start_2:
0x90: {  	(tag) =	ssettag $0x2  }
0x91: {  	s0 =	rddreg [dreg:$0x0];
	s2 =	stileid.u32  }
0x92: {  	s1 =	rddreg [dreg:$0x1];
	p0 =	sne.s32 s2, $0x0  }
0x93: {  	s3 =	rddreg [dreg:$0x2];
	[bflag:$0x3] =	sbarrier.arrive $0xFFFF;
	s2 =	simm.s32 @!p0 $0x1C09  }
0x94: {  	[timem:s3], [sflag:s2] =	dma.local @!p0 [hbm:s0], s1  }
0x95: {  	s0 =	simm.s32 @!p0 $0x9  }
0x96: {  	_ =	swait.ge @!p0 [sflag:s0], s1  }
0x97: {  	s1 =	ssub.s32 @!p0 $0x0, s1;
	[sflag:s0] =	ssyncset.done @!p0 $0x0  }
0x98: {  	[sflag:s0] =	ssyncadd.s32 @!p0 s1  }
0x99: {  	[bflag:$0x3] =	sbarrier.arrive $0xFFFF  }
0x9a: {  	_ =	shalt  }

</sc_bundles>
